<compile_context>
chip_gen: v7x
topology: tpu7x:2x2x1
jax: 0.10.2.dev20260603
libtpu: 0.0.44.dev20260713+nightly
codegen_flags: <defaults>
</compile_context>

<pallas_src>
import functools

import jax
import jax.numpy as jnp
from jax import lax
from jax.experimental import pallas as pl
from jax.experimental.pallas import tpu as pltpu
from jax.experimental.pallas import tpu_sc as plsc

VOCAB = 100000
DOC = 100000
DIM = 64
BATCH = 1024
CTX = 20

NC = 2
NS = 16
NW = NC * NS
B_PER_W = BATCH // NW
IDX_PER_W = B_PER_W * CTX
GCHUNK = 128
LANES = 16


def _sc_hidden_body(word_hbm, doc_hbm, ctx_hbm, did_hbm, out_hbm,
                    ctx_idx, doc_idx, ctx_rows, doc_rows, hid, sem):
    wid = lax.axis_index("s") * NC + lax.axis_index("c")
    base = wid * B_PER_W
    ibase = wid * IDX_PER_W

    pltpu.sync_copy(ctx_hbm.at[pl.ds(ibase, IDX_PER_W)], ctx_idx)
    pltpu.sync_copy(did_hbm.at[pl.ds(base, B_PER_W)], doc_idx)

    copies = []
    for k in range(IDX_PER_W // GCHUNK):
        copies.append(pltpu.async_copy(
            word_hbm.at[ctx_idx.at[pl.ds(k * GCHUNK, GCHUNK)]],
            ctx_rows.at[pl.ds(k * GCHUNK, GCHUNK), :], sem))
    copies.append(pltpu.async_copy(doc_hbm.at[doc_idx], doc_rows, sem))
    for c in copies:
        c.wait()

    inv = jnp.float32(1.0 / CTX)

    def row(i, carry):
        for c in range(DIM // LANES):
            sl = pl.ds(c * LANES, LANES)
            acc = ctx_rows[i * CTX, sl]
            for j in range(1, CTX):
                acc = acc + ctx_rows[i * CTX + j, sl]
            hid[i, sl] = acc * inv + doc_rows[i, sl]
        return carry

    lax.fori_loop(0, B_PER_W, row, 0, unroll=False)

    pltpu.sync_copy(hid, out_hbm.at[pl.ds(base, B_PER_W)])


@functools.partial(jax.jit, static_argnames=())
def _sc_hidden(word_emb, doc_emb, ctx_flat, doc_id):
    mesh = plsc.VectorSubcoreMesh(core_axis_name="c", subcore_axis_name="s")
    return pl.kernel(
        _sc_hidden_body,
        mesh=mesh,
        compiler_params=pltpu.CompilerParams(use_tc_tiling_on_sc=False),
        out_type=jax.ShapeDtypeStruct((BATCH, DIM), jnp.float32),
        scratch_types=[
            pltpu.VMEM((IDX_PER_W,), jnp.int32),
            pltpu.VMEM((B_PER_W,), jnp.int32),
            pltpu.VMEM((IDX_PER_W, DIM), jnp.float32),
            pltpu.VMEM((B_PER_W, DIM), jnp.float32),
            pltpu.VMEM((B_PER_W, DIM), jnp.float32),
            pltpu.SemaphoreType.DMA,
        ],
    )(word_emb, doc_emb, ctx_flat, doc_id)


BLKV = 16384
BLKB = 128


def _proj_body(h_ref, w_ref, b_ref, out_ref):
    out_ref[...] = lax.dot_general(
        h_ref[...], w_ref[...],
        dimension_numbers=(((1,), (1,)), ((), ())),
        preferred_element_type=jnp.float32,
    ) + b_ref[...]


def _tc_logits(hidden, W, b2d):
    grid = (pl.cdiv(VOCAB, BLKV), BATCH // BLKB)
    return pl.pallas_call(
        _proj_body,
        grid=grid,
        in_specs=[
            pl.BlockSpec((BLKB, DIM), lambda j, i: (i, 0)),
            pl.BlockSpec((BLKV, DIM), lambda j, i: (j, 0)),
            pl.BlockSpec((1, BLKV), lambda j, i: (0, j)),
        ],
        out_specs=pl.BlockSpec((BLKB, BLKV), lambda j, i: (i, j)),
        out_shape=jax.ShapeDtypeStruct((BATCH, VOCAB), jnp.float32),
    )(hidden, W, b2d)


def kernel(doc_id, context_ids, word_emb, doc_emb, W, b):
    ctx_flat = context_ids.reshape(-1).astype(jnp.int32)
    did = doc_id.astype(jnp.int32)
    hidden = _sc_hidden(word_emb, doc_emb, ctx_flat, did)
    return _tc_logits(hidden, W, b.reshape(1, VOCAB))

# --- scband reference (transcript-rebuilt; emitter-appended) ---
"""Pipeline reference for scband-dm-38336878084157 (READ-ONLY COPY).

The authoritative reference and input builder live on the scoring server;
editing this copy changes nothing except your own understanding.
"""

import jax, jax.numpy as jnp
import numpy as np

VOCAB = 100000
DOC = 100000
DIM = 64
BATCH = 1024
CTX = 20

def _xavier(key, shape):
    fan_in, fan_out = shape[1], shape[0]
    a = float(np.sqrt(6.0 / (fan_in + fan_out)))
    return jax.random.uniform(key, shape, dtype=jnp.float32, minval=-a, maxval=a)

def setup_inputs(seed: int = 0) -> dict:
    key = jax.random.key(seed)
    k1, k2, k3, k4, k5, k6 = jax.random.split(key, 6)
    doc_id = jax.random.randint(k1, (BATCH,), 0, DOC, dtype=jnp.int64 if jax.config.jax_enable_x64 else jnp.int32)
    context_ids = jax.random.randint(k2, (BATCH, CTX), 0, VOCAB, dtype=jnp.int64 if jax.config.jax_enable_x64 else jnp.int32)
    word_emb = _xavier(k3, (VOCAB, DIM))
    doc_emb = _xavier(k4, (DOC, DIM))
    # nn.Linear(embedding_dim, vocab_size): weight [vocab, dim], bias [vocab]
    bound = float(1.0 / np.sqrt(DIM))
    W = jax.random.uniform(k5, (VOCAB, DIM), dtype=jnp.float32, minval=-bound, maxval=bound)
    b = jax.random.uniform(k6, (VOCAB,), dtype=jnp.float32, minval=-bound, maxval=bound)
    return {"doc_id": doc_id, "context_ids": context_ids, "word_emb": word_emb, "doc_emb": doc_emb, "W": W, "b": b}

def reference(doc_id, context_ids, word_emb, doc_emb, W, b):
    # context_vec = self.word_emb(context_ids).mean(dim=1)
    context_vec = jnp.take(word_emb, context_ids, axis=0).mean(axis=1)  # [B, D]
    # doc_vec = self.doc_emb(doc_id)
    doc_vec = jnp.take(doc_emb, doc_id, axis=0)  # [B, D]
    hidden = context_vec + doc_vec
    logits = hidden @ W.T + b  # [B, vocab]
    return logits

if __name__ == "__main__":
    import jax
    _d = setup_inputs()
    print(jax.jit(kernel)(*tuple(_d.values())))

</pallas_src>

<mosaic_0001>
#map = affine_map<(d0, d1) -> (0, 0)>
#map1 = affine_map<(d0, d1) -> (0)>
module attributes {stable_mosaic.version = 14 : i64} {
  func.func @_sc_hidden_body(%arg0: i32, %arg1: i32, %arg2: memref<100000x64xf32, #tpu.memory_space<hbm>>, %arg3: memref<100000x64xf32, #tpu.memory_space<hbm>>, %arg4: memref<20480xi32, #tpu.memory_space<hbm>>, %arg5: memref<1024xi32, #tpu.memory_space<hbm>>, %arg6: memref<1024x64xf32, #tpu.memory_space<hbm>>, %arg7: memref<640xi32, #tpu.memory_space<vmem>>, %arg8: memref<32xi32, #tpu.memory_space<vmem>>, %arg9: memref<640x64xf32, #tpu.memory_space<vmem>>, %arg10: memref<32x64xf32, #tpu.memory_space<vmem>>, %arg11: memref<32x64xf32, #tpu.memory_space<vmem>>, %arg12: memref<!tpu.dma_semaphore, #tpu.memory_space<semaphore_mem>>) attributes {dimension_semantics = [#tpu.dimension_semantics<core_parallel>, #tpu.dimension_semantics<subcore_parallel>], iteration_bounds = array<i64: 2, 16>, scalar_prefetch = 0 : i64, scratch_operands = 6 : i64, tpu.core_type = #tpu.core_type<sc_vector_subcore>, window_params = [{transform_indices = #map}, {transform_indices = #map}, {transform_indices = #map1}, {transform_indices = #map1}, {transform_indices = #map}]} {
    %mul3A = arith.constant 2 : i32
    %mul3A_0 = arith.muli %arg1, %mul3A : i32
    %add3A = arith.addi %mul3A_0, %arg0 : i32
    %mul3A_1 = arith.constant 32 : i32
    %mul3A_2 = arith.muli %add3A, %mul3A_1 : i32
    %mul3A_3 = arith.constant 640 : i32
    %mul3A_4 = arith.muli %add3A, %mul3A_3 : i32
    "tpu.region"() ({
      %run_scoped3A = tpu.sem_alloc : memref<!tpu.dma_semaphore, #tpu.memory_space<semaphore_mem>>
      %dma_start3A_95 = tpu.memref_slice %arg4[%mul3A_4] : memref<20480xi32, #tpu.memory_space<hbm>> -> memref<640xi32, #tpu.memory_space<hbm>>
      %dma_start3A_96 = tpu.memref_slice %arg4[%mul3A_4] : memref<20480xi32, #tpu.memory_space<hbm>> -> memref<640xi32, #tpu.memory_space<hbm>>
      tpu.enqueue_dma source(%dma_start3A_96 : memref<640xi32, #tpu.memory_space<hbm>>) target(%arg7 : memref<640xi32, #tpu.memory_space<vmem>>) target_semaphore(%run_scoped3A : memref<!tpu.dma_semaphore, #tpu.memory_space<semaphore_mem>>)
      %dma_wait3A_97 = tpu.memref_slice %arg4[%mul3A_4] : memref<20480xi32, #tpu.memory_space<hbm>> -> memref<640xi32, #tpu.memory_space<hbm>>
      %dma_wait3A_98 = tpu.memref_slice %arg4[%mul3A_4] : memref<20480xi32, #tpu.memory_space<hbm>> -> memref<640xi32, #tpu.memory_space<hbm>>
      tpu.wait_dma2 semaphore(%run_scoped3A : memref<!tpu.dma_semaphore, #tpu.memory_space<semaphore_mem>>) src(%dma_wait3A_98 : memref<640xi32, #tpu.memory_space<hbm>>) dst(%arg7 : memref<640xi32, #tpu.memory_space<vmem>>)
      tpu.yield
    }) : () -> ()
    "tpu.region"() ({
      %run_scoped3A = tpu.sem_alloc : memref<!tpu.dma_semaphore, #tpu.memory_space<semaphore_mem>>
      %dma_start3A_95 = tpu.memref_slice %arg5[%mul3A_2] : memref<1024xi32, #tpu.memory_space<hbm>> -> memref<32xi32, #tpu.memory_space<hbm>>
      %dma_start3A_96 = tpu.memref_slice %arg5[%mul3A_2] : memref<1024xi32, #tpu.memory_space<hbm>> -> memref<32xi32, #tpu.memory_space<hbm>>
      tpu.enqueue_dma source(%dma_start3A_96 : memref<32xi32, #tpu.memory_space<hbm>>) target(%arg8 : memref<32xi32, #tpu.memory_space<vmem>>) target_semaphore(%run_scoped3A : memref<!tpu.dma_semaphore, #tpu.memory_space<semaphore_mem>>)
      %dma_wait3A_97 = tpu.memref_slice %arg5[%mul3A_2] : memref<1024xi32, #tpu.memory_space<hbm>> -> memref<32xi32, #tpu.memory_space<hbm>>
      %dma_wait3A_98 = tpu.memref_slice %arg5[%mul3A_2] : memref<1024xi32, #tpu.memory_space<hbm>> -> memref<32xi32, #tpu.memory_space<hbm>>
      tpu.wait_dma2 semaphore(%run_scoped3A : memref<!tpu.dma_semaphore, #tpu.memory_space<semaphore_mem>>) src(%dma_wait3A_98 : memref<32xi32, #tpu.memory_space<hbm>>) dst(%arg8 : memref<32xi32, #tpu.memory_space<vmem>>)
      tpu.yield
    }) : () -> ()
    %dma_start3A = arith.constant 0 : i32
    %dma_start3A_5 = arith.constant 0 : i32
    %dma_start3A_6 = tpu.memref_slice %arg9[%dma_start3A, %dma_start3A_5] : memref<640x64xf32, #tpu.memory_space<vmem>> -> memref<128x64xf32, #tpu.memory_space<vmem>>
    %dma_start3A_7 = arith.constant 0 : i32
    %dma_start3A_8 = tpu.memref_slice %arg7[%dma_start3A_7] : memref<640xi32, #tpu.memory_space<vmem>> -> memref<128xi32, #tpu.memory_space<vmem>>
    %dma_start3A_9 = arith.constant 0 : i32
    %dma_start3A_10 = arith.constant 0 : i32
    %dma_start3A_11 = tpu.memref_slice %arg2[%dma_start3A_9, %dma_start3A_10] : memref<100000x64xf32, #tpu.memory_space<hbm>> -> memref<100000x64xf32, #tpu.memory_space<hbm>>
    tpu.enqueue_indirect_dma source(%dma_start3A_11 : memref<100000x64xf32, #tpu.memory_space<hbm>>) target(%dma_start3A_6 : memref<128x64xf32, #tpu.memory_space<vmem>>) offsets(%dma_start3A_8 : memref<128xi32, #tpu.memory_space<vmem>>) semaphore(%arg12 : memref<!tpu.dma_semaphore, #tpu.memory_space<semaphore_mem>>)
    %dma_start3A_12 = arith.constant 128 : i32
    %dma_start3A_13 = arith.constant 0 : i32
    %dma_start3A_14 = tpu.memref_slice %arg9[%dma_start3A_12, %dma_start3A_13] : memref<640x64xf32, #tpu.memory_space<vmem>> -> memref<128x64xf32, #tpu.memory_space<vmem>>
    %dma_start3A_15 = arith.constant 128 : i32
    %dma_start3A_16 = tpu.memref_slice %arg7[%dma_start3A_15] : memref<640xi32, #tpu.memory_space<vmem>> -> memref<128xi32, #tpu.memory_space<vmem>>
    %dma_start3A_17 = arith.constant 0 : i32
    %dma_start3A_18 = arith.constant 0 : i32
    %dma_start3A_19 = tpu.memref_slice %arg2[%dma_start3A_17, %dma_start3A_18] : memref<100000x64xf32, #tpu.memory_space<hbm>> -> memref<100000x64xf32, #tpu.memory_space<hbm>>
    tpu.enqueue_indirect_dma source(%dma_start3A_19 : memref<100000x64xf32, #tpu.memory_space<hbm>>) target(%dma_start3A_14 : memref<128x64xf32, #tpu.memory_space<vmem>>) offsets(%dma_start3A_16 : memref<128xi32, #tpu.memory_space<vmem>>) semaphore(%arg12 : memref<!tpu.dma_semaphore, #tpu.memory_space<semaphore_mem>>)
    %dma_start3A_20 = arith.constant 256 : i32
    %dma_start3A_21 = arith.constant 0 : i32
    %dma_start3A_22 = tpu.memref_slice %arg9[%dma_start3A_20, %dma_start3A_21] : memref<640x64xf32, #tpu.memory_space<vmem>> -> memref<128x64xf32, #tpu.memory_space<vmem>>
    %dma_start3A_23 = arith.constant 256 : i32
    %dma_start3A_24 = tpu.memref_slice %arg7[%dma_start3A_23] : memref<640xi32, #tpu.memory_space<vmem>> -> memref<128xi32, #tpu.memory_space<vmem>>
    %dma_start3A_25 = arith.constant 0 : i32
    %dma_start3A_26 = arith.constant 0 : i32
    %dma_start3A_27 = tpu.memref_slice %arg2[%dma_start3A_25, %dma_start3A_26] : memref<100000x64xf32, #tpu.memory_space<hbm>> -> memref<100000x64xf32, #tpu.memory_space<hbm>>
    tpu.enqueue_indirect_dma source(%dma_start3A_27 : memref<100000x64xf32, #tpu.memory_space<hbm>>) target(%dma_start3A_22 : memref<128x64xf32, #tpu.memory_space<vmem>>) offsets(%dma_start3A_24 : memref<128xi32, #tpu.memory_space<vmem>>) semaphore(%arg12 : memref<!tpu.dma_semaphore, #tpu.memory_space<semaphore_mem>>)
    %dma_start3A_28 = arith.constant 384 : i32
    %dma_start3A_29 = arith.constant 0 : i32
    %dma_start3A_30 = tpu.memref_slice %arg9[%dma_start3A_28, %dma_start3A_29] : memref<640x64xf32, #tpu.memory_space<vmem>> -> memref<128x64xf32, #tpu.memory_space<vmem>>
    %dma_start3A_31 = arith.constant 384 : i32
    %dma_start3A_32 = tpu.memref_slice %arg7[%dma_start3A_31] : memref<640xi32, #tpu.memory_space<vmem>> -> memref<128xi32, #tpu.memory_space<vmem>>
    %dma_start3A_33 = arith.constant 0 : i32
    %dma_start3A_34 = arith.constant 0 : i32
    %dma_start3A_35 = tpu.memref_slice %arg2[%dma_start3A_33, %dma_start3A_34] : memref<100000x64xf32, #tpu.memory_space<hbm>> -> memref<100000x64xf32, #tpu.memory_space<hbm>>
    tpu.enqueue_indirect_dma source(%dma_start3A_35 : memref<100000x64xf32, #tpu.memory_space<hbm>>) target(%dma_start3A_30 : memref<128x64xf32, #tpu.memory_space<vmem>>) offsets(%dma_start3A_32 : memref<128xi32, #tpu.memory_space<vmem>>) semaphore(%arg12 : memref<!tpu.dma_semaphore, #tpu.memory_space<semaphore_mem>>)
    %dma_start3A_36 = arith.constant 512 : i32
    %dma_start3A_37 = arith.constant 0 : i32
    %dma_start3A_38 = tpu.memref_slice %arg9[%dma_start3A_36, %dma_start3A_37] : memref<640x64xf32, #tpu.memory_space<vmem>> -> memref<128x64xf32, #tpu.memory_space<vmem>>
    %dma_start3A_39 = arith.constant 512 : i32
    %dma_start3A_40 = tpu.memref_slice %arg7[%dma_start3A_39] : memref<640xi32, #tpu.memory_space<vmem>> -> memref<128xi32, #tpu.memory_space<vmem>>
    %dma_start3A_41 = arith.constant 0 : i32
    %dma_start3A_42 = arith.constant 0 : i32
    %dma_start3A_43 = tpu.memref_slice %arg2[%dma_start3A_41, %dma_start3A_42] : memref<100000x64xf32, #tpu.memory_space<hbm>> -> memref<100000x64xf32, #tpu.memory_space<hbm>>
    tpu.enqueue_indirect_dma source(%dma_start3A_43 : memref<100000x64xf32, #tpu.memory_space<hbm>>) target(%dma_start3A_38 : memref<128x64xf32, #tpu.memory_space<vmem>>) offsets(%dma_start3A_40 : memref<128xi32, #tpu.memory_space<vmem>>) semaphore(%arg12 : memref<!tpu.dma_semaphore, #tpu.memory_space<semaphore_mem>>)
    %dma_start3A_44 = arith.constant 0 : i32
    %dma_start3A_45 = arith.constant 0 : i32
    %dma_start3A_46 = tpu.memref_slice %arg3[%dma_start3A_44, %dma_start3A_45] : memref<100000x64xf32, #tpu.memory_space<hbm>> -> memref<100000x64xf32, #tpu.memory_space<hbm>>
    tpu.enqueue_indirect_dma source(%dma_start3A_46 : memref<100000x64xf32, #tpu.memory_space<hbm>>) target(%arg10 : memref<32x64xf32, #tpu.memory_space<vmem>>) offsets(%arg8 : memref<32xi32, #tpu.memory_space<vmem>>) semaphore(%arg12 : memref<!tpu.dma_semaphore, #tpu.memory_space<semaphore_mem>>)
    %dma_wait3A = arith.constant 0 : i32
    %dma_wait3A_47 = arith.constant 0 : i32
    %dma_wait3A_48 = tpu.memref_slice %arg9[%dma_wait3A, %dma_wait3A_47] : memref<640x64xf32, #tpu.memory_space<vmem>> -> memref<128x64xf32, #tpu.memory_space<vmem>>
    %dma_wait3A_49 = arith.constant 0 : i32
    %dma_wait3A_50 = tpu.memref_slice %arg7[%dma_wait3A_49] : memref<640xi32, #tpu.memory_space<vmem>> -> memref<128xi32, #tpu.memory_space<vmem>>
    %dma_wait3A_51 = arith.constant 0 : i32
    %dma_wait3A_52 = arith.constant 0 : i32
    %dma_wait3A_53 = tpu.memref_slice %arg2[%dma_wait3A_51, %dma_wait3A_52] : memref<100000x64xf32, #tpu.memory_space<hbm>> -> memref<100000x64xf32, #tpu.memory_space<hbm>>
    tpu.wait_indirect_dma semaphore(%arg12 : memref<!tpu.dma_semaphore, #tpu.memory_space<semaphore_mem>>) src(%dma_wait3A_53 : memref<100000x64xf32, #tpu.memory_space<hbm>>) dst(%dma_wait3A_48 : memref<128x64xf32, #tpu.memory_space<vmem>>)
    %dma_wait3A_54 = arith.constant 128 : i32
    %dma_wait3A_55 = arith.constant 0 : i32
    %dma_wait3A_56 = tpu.memref_slice %arg9[%dma_wait3A_54, %dma_wait3A_55] : memref<640x64xf32, #tpu.memory_space<vmem>> -> memref<128x64xf32, #tpu.memory_space<vmem>>
    %dma_wait3A_57 = arith.constant 128 : i32
    %dma_wait3A_58 = tpu.memref_slice %arg7[%dma_wait3A_57] : memref<640xi32, #tpu.memory_space<vmem>> -> memref<128xi32, #tpu.memory_space<vmem>>
    %dma_wait3A_59 = arith.constant 0 : i32
    %dma_wait3A_60 = arith.constant 0 : i32
    %dma_wait3A_61 = tpu.memref_slice %arg2[%dma_wait3A_59, %dma_wait3A_60] : memref<100000x64xf32, #tpu.memory_space<hbm>> -> memref<100000x64xf32, #tpu.memory_space<hbm>>
    tpu.wait_indirect_dma semaphore(%arg12 : memref<!tpu.dma_semaphore, #tpu.memory_space<semaphore_mem>>) src(%dma_wait3A_61 : memref<100000x64xf32, #tpu.memory_space<hbm>>) dst(%dma_wait3A_56 : memref<128x64xf32, #tpu.memory_space<vmem>>)
    %dma_wait3A_62 = arith.constant 256 : i32
    %dma_wait3A_63 = arith.constant 0 : i32
    %dma_wait3A_64 = tpu.memref_slice %arg9[%dma_wait3A_62, %dma_wait3A_63] : memref<640x64xf32, #tpu.memory_space<vmem>> -> memref<128x64xf32, #tpu.memory_space<vmem>>
    %dma_wait3A_65 = arith.constant 256 : i32
    %dma_wait3A_66 = tpu.memref_slice %arg7[%dma_wait3A_65] : memref<640xi32, #tpu.memory_space<vmem>> -> memref<128xi32, #tpu.memory_space<vmem>>
    %dma_wait3A_67 = arith.constant 0 : i32
    %dma_wait3A_68 = arith.constant 0 : i32
    %dma_wait3A_69 = tpu.memref_slice %arg2[%dma_wait3A_67, %dma_wait3A_68] : memref<100000x64xf32, #tpu.memory_space<hbm>> -> memref<100000x64xf32, #tpu.memory_space<hbm>>
    tpu.wait_indirect_dma semaphore(%arg12 : memref<!tpu.dma_semaphore, #tpu.memory_space<semaphore_mem>>) src(%dma_wait3A_69 : memref<100000x64xf32, #tpu.memory_space<hbm>>) dst(%dma_wait3A_64 : memref<128x64xf32, #tpu.memory_space<vmem>>)
    %dma_wait3A_70 = arith.constant 384 : i32
    %dma_wait3A_71 = arith.constant 0 : i32
    %dma_wait3A_72 = tpu.memref_slice %arg9[%dma_wait3A_70, %dma_wait3A_71] : memref<640x64xf32, #tpu.memory_space<vmem>> -> memref<128x64xf32, #tpu.memory_space<vmem>>
    %dma_wait3A_73 = arith.constant 384 : i32
    %dma_wait3A_74 = tpu.memref_slice %arg7[%dma_wait3A_73] : memref<640xi32, #tpu.memory_space<vmem>> -> memref<128xi32, #tpu.memory_space<vmem>>
    %dma_wait3A_75 = arith.constant 0 : i32
    %dma_wait3A_76 = arith.constant 0 : i32
    %dma_wait3A_77 = tpu.memref_slice %arg2[%dma_wait3A_75, %dma_wait3A_76] : memref<100000x64xf32, #tpu.memory_space<hbm>> -> memref<100000x64xf32, #tpu.memory_space<hbm>>
    tpu.wait_indirect_dma semaphore(%arg12 : memref<!tpu.dma_semaphore, #tpu.memory_space<semaphore_mem>>) src(%dma_wait3A_77 : memref<100000x64xf32, #tpu.memory_space<hbm>>) dst(%dma_wait3A_72 : memref<128x64xf32, #tpu.memory_space<vmem>>)
    %dma_wait3A_78 = arith.constant 512 : i32
    %dma_wait3A_79 = arith.constant 0 : i32
    %dma_wait3A_80 = tpu.memref_slice %arg9[%dma_wait3A_78, %dma_wait3A_79] : memref<640x64xf32, #tpu.memory_space<vmem>> -> memref<128x64xf32, #tpu.memory_space<vmem>>
    %dma_wait3A_81 = arith.constant 512 : i32
    %dma_wait3A_82 = tpu.memref_slice %arg7[%dma_wait3A_81] : memref<640xi32, #tpu.memory_space<vmem>> -> memref<128xi32, #tpu.memory_space<vmem>>
    %dma_wait3A_83 = arith.constant 0 : i32
    %dma_wait3A_84 = arith.constant 0 : i32
    %dma_wait3A_85 = tpu.memref_slice %arg2[%dma_wait3A_83, %dma_wait3A_84] : memref<100000x64xf32, #tpu.memory_space<hbm>> -> memref<100000x64xf32, #tpu.memory_space<hbm>>
    tpu.wait_indirect_dma semaphore(%arg12 : memref<!tpu.dma_semaphore, #tpu.memory_space<semaphore_mem>>) src(%dma_wait3A_85 : memref<100000x64xf32, #tpu.memory_space<hbm>>) dst(%dma_wait3A_80 : memref<128x64xf32, #tpu.memory_space<vmem>>)
    %dma_wait3A_86 = arith.constant 0 : i32
    %dma_wait3A_87 = arith.constant 0 : i32
    %dma_wait3A_88 = tpu.memref_slice %arg3[%dma_wait3A_86, %dma_wait3A_87] : memref<100000x64xf32, #tpu.memory_space<hbm>> -> memref<100000x64xf32, #tpu.memory_space<hbm>>
    tpu.wait_indirect_dma semaphore(%arg12 : memref<!tpu.dma_semaphore, #tpu.memory_space<semaphore_mem>>) src(%dma_wait3A_88 : memref<100000x64xf32, #tpu.memory_space<hbm>>) dst(%arg10 : memref<32x64xf32, #tpu.memory_space<vmem>>)
    %scan3A = arith.constant 0 : i32
    %scan3A_89 = arith.constant 5.000000e-02 : f32
    %scan3A_90 = arith.constant 0 : i32
    %scan3A_91 = arith.constant 32 : i32
    %scan3A_92 = arith.addi %scan3A_90, %scan3A_91 : i32
    %scan3A_93 = arith.constant 1 : i32
    scf.for %scan3A_95 = %scan3A_90 to %scan3A_92 step %scan3A_93  : i32 {
      %mul3A_96 = arith.constant 20 : i32
      %mul3A_97 = arith.muli %scan3A_95, %mul3A_96 : i32
      %get3A = arith.index_cast %mul3A_97 : i32 to index
      %get3A_98 = arith.constant 0 : index
      %get3A_99 = tpu.vector_load %arg9[%get3A, %get3A_98] {strides = array<i32>} : memref<640x64xf32, #tpu.memory_space<vmem>>, vector<1x16xf32>,
      %get3A_100 = vector.shape_cast %get3A_99 : vector<1x16xf32> to vector<16xf32>
      %mul3A_101 = arith.constant 20 : i32
      %mul3A_102 = arith.muli %scan3A_95, %mul3A_101 : i32
      %add3A_103 = arith.constant 1 : i32
      %add3A_104 = arith.addi %mul3A_102, %add3A_103 : i32
      %get3A_105 = arith.index_cast %add3A_104 : i32 to index
      %get3A_106 = arith.constant 0 : index
      %get3A_107 = tpu.vector_load %arg9[%get3A_105, %get3A_106] {strides = array<i32>} : memref<640x64xf32, #tpu.memory_space<vmem>>, vector<1x16xf32>,
      %get3A_108 = vector.shape_cast %get3A_107 : vector<1x16xf32> to vector<16xf32>
      %add3A_109 = arith.addf %get3A_100, %get3A_108 : vector<16xf32>
      %mul3A_110 = arith.constant 20 : i32
      %mul3A_111 = arith.muli %scan3A_95, %mul3A_110 : i32
      %add3A_112 = arith.constant 2 : i32
      %add3A_113 = arith.addi %mul3A_111, %add3A_112 : i32
      %get3A_114 = arith.index_cast %add3A_113 : i32 to index
      %get3A_115 = arith.constant 0 : index
      %get3A_116 = tpu.vector_load %arg9[%get3A_114, %get3A_115] {strides = array<i32>} : memref<640x64xf32, #tpu.memory_space<vmem>>, vector<1x16xf32>,
      %get3A_117 = vector.shape_cast %get3A_116 : vector<1x16xf32> to vector<16xf32>
      %add3A_118 = arith.addf %add3A_109, %get3A_117 : vector<16xf32>
      %mul3A_119 = arith.constant 20 : i32
      %mul3A_120 = arith.muli %scan3A_95, %mul3A_119 : i32
      %add3A_121 = arith.constant 3 : i32
      %add3A_122 = arith.addi %mul3A_120, %add3A_121 : i32
      %get3A_123 = arith.index_cast %add3A_122 : i32 to index
      %get3A_124 = arith.constant 0 : index
      %get3A_125 = tpu.vector_load %arg9[%get3A_123, %get3A_124] {strides = array<i32>} : memref<640x64xf32, #tpu.memory_space<vmem>>, vector<1x16xf32>,
      %get3A_126 = vector.shape_cast %get3A_125 : vector<1x16xf32> to vector<16xf32>
      %add3A_127 = arith.addf %add3A_118, %get3A_126 : vector<16xf32>
      %mul3A_128 = arith.constant 20 : i32
      %mul3A_129 = arith.muli %scan3A_95, %mul3A_128 : i32
      %add3A_130 = arith.constant 4 : i32
      %add3A_131 = arith.addi %mul3A_129, %add3A_130 : i32
      %get3A_132 = arith.index_cast %add3A_131 : i32 to index
      %get3A_133 = arith.constant 0 : index
      %get3A_134 = tpu.vector_load %arg9[%get3A_132, %get3A_133] {strides = array<i32>} : memref<640x64xf32, #tpu.memory_space<vmem>>, vector<1x16xf32>,
      %get3A_135 = vector.shape_cast %get3A_134 : vector<1x16xf32> to vector<16xf32>
      %add3A_136 = arith.addf %add3A_127, %get3A_135 : vector<16xf32>
      %mul3A_137 = arith.constant 20 : i32
      %mul3A_138 = arith.muli %scan3A_95, %mul3A_137 : i32
      %add3A_139 = arith.constant 5 : i32
      %add3A_140 = arith.addi %mul3A_138, %add3A_139 : i32
      %get3A_141 = arith.index_cast %add3A_140 : i32 to index
      %get3A_142 = arith.constant 0 : index
      %get3A_143 = tpu.vector_load %arg9[%get3A_141, %get3A_142] {strides = array<i32>} : memref<640x64xf32, #tpu.memory_space<vmem>>, vector<1x16xf32>,
      %get3A_144 = vector.shape_cast %get3A_143 : vector<1x16xf32> to vector<16xf32>
      %add3A_145 = arith.addf %add3A_136, %get3A_144 : vector<16xf32>
      %mul3A_146 = arith.constant 20 : i32
      %mul3A_147 = arith.muli %scan3A_95, %mul3A_146 : i32
      %add3A_148 = arith.constant 6 : i32
      %add3A_149 = arith.addi %mul3A_147, %add3A_148 : i32
      %get3A_150 = arith.index_cast %add3A_149 : i32 to index
      %get3A_151 = arith.constant 0 : index
      %get3A_152 = tpu.vector_load %arg9[%get3A_150, %get3A_151] {strides = array<i32>} : memref<640x64xf32, #tpu.memory_space<vmem>>, vector<1x16xf32>,
      %get3A_153 = vector.shape_cast %get3A_152 : vector<1x16xf32> to vector<16xf32>
      %add3A_154 = arith.addf %add3A_145, %get3A_153 : vector<16xf32>
      %mul3A_155 = arith.constant 20 : i32
      %mul3A_156 = arith.muli %scan3A_95, %mul3A_155 : i32
      %add3A_157 = arith.constant 7 : i32
      %add3A_158 = arith.addi %mul3A_156, %add3A_157 : i32
      %get3A_159 = arith.index_cast %add3A_158 : i32 to index
      %get3A_160 = arith.constant 0 : index
      %get3A_161 = tpu.vector_load %arg9[%get3A_159, %get3A_160] {strides = array<i32>} : memref<640x64xf32, #tpu.memory_space<vmem>>, vector<1x16xf32>,
      %get3A_162 = vector.shape_cast %get3A_161 : vector<1x16xf32> to vector<16xf32>
      %add3A_163 = arith.addf %add3A_154, %get3A_162 : vector<16xf32>
      %mul3A_164 = arith.constant 20 : i32
      %mul3A_165 = arith.muli %scan3A_95, %mul3A_164 : i32
      %add3A_166 = arith.constant 8 : i32
      %add3A_167 = arith.addi %mul3A_165, %add3A_166 : i32
      %get3A_168 = arith.index_cast %add3A_167 : i32 to index
      %get3A_169 = arith.constant 0 : index
      %get3A_170 = tpu.vector_load %arg9[%get3A_168, %get3A_169] {strides = array<i32>} : memref<640x64xf32, #tpu.memory_space<vmem>>, vector<1x16xf32>,
      %get3A_171 = vector.shape_cast %get3A_170 : vector<1x16xf32> to vector<16xf32>
      %add3A_172 = arith.addf %add3A_163, %get3A_171 : vector<16xf32>
      %mul3A_173 = arith.constant 20 : i32
      %mul3A_174 = arith.muli %scan3A_95, %mul3A_173 : i32
      %add3A_175 = arith.constant 9 : i32
      %add3A_176 = arith.addi %mul3A_174, %add3A_175 : i32
      %get3A_177 = arith.index_cast %add3A_176 : i32 to index
      %get3A_178 = arith.constant 0 : index
      %get3A_179 = tpu.vector_load %arg9[%get3A_177, %get3A_178] {strides = array<i32>} : memref<640x64xf32, #tpu.memory_space<vmem>>, vector<1x16xf32>,
      %get3A_180 = vector.shape_cast %get3A_179 : vector<1x16xf32> to vector<16xf32>
      %add3A_181 = arith.addf %add3A_172, %get3A_180 : vector<16xf32>
      %mul3A_182 = arith.constant 20 : i32
      %mul3A_183 = arith.muli %scan3A_95, %mul3A_182 : i32
      %add3A_184 = arith.constant 10 : i32
      %add3A_185 = arith.addi %mul3A_183, %add3A_184 : i32
      %get3A_186 = arith.index_cast %add3A_185 : i32 to index
      %get3A_187 = arith.constant 0 : index
      %get3A_188 = tpu.vector_load %arg9[%get3A_186, %get3A_187] {strides = array<i32>} : memref<640x64xf32, #tpu.memory_space<vmem>>, vector<1x16xf32>,
      %get3A_189 = vector.shape_cast %get3A_188 : vector<1x16xf32> to vector<16xf32>
      %add3A_190 = arith.addf %add3A_181, %get3A_189 : vector<16xf32>
      %mul3A_191 = arith.constant 20 : i32
      %mul3A_192 = arith.muli %scan3A_95, %mul3A_191 : i32
      %add3A_193 = arith.constant 11 : i32
      %add3A_194 = arith.addi %mul3A_192, %add3A_193 : i32
      %get3A_195 = arith.index_cast %add3A_194 : i32 to index
      %get3A_196 = arith.constant 0 : index
      %get3A_197 = tpu.vector_load %arg9[%get3A_195, %get3A_196] {strides = array<i32>} : memref<640x64xf32, #tpu.memory_space<vmem>>, vector<1x16xf32>,
      %get3A_198 = vector.shape_cast %get3A_197 : vector<1x16xf32> to vector<16xf32>
      %add3A_199 = arith.addf %add3A_190, %get3A_198 : vector<16xf32>
      %mul3A_200 = arith.constant 20 : i32
      %mul3A_201 = arith.muli %scan3A_95, %mul3A_200 : i32
      %add3A_202 = arith.constant 12 : i32
      %add3A_203 = arith.addi %mul3A_201, %add3A_202 : i32
      %get3A_204 = arith.index_cast %add3A_203 : i32 to index
      %get3A_205 = arith.constant 0 : index
      %get3A_206 = tpu.vector_load %arg9[%get3A_204, %get3A_205] {strides = array<i32>} : memref<640x64xf32, #tpu.memory_space<vmem>>, vector<1x16xf32>,
      %get3A_207 = vector.shape_cast %get3A_206 : vector<1x16xf32> to vector<16xf32>
      %add3A_208 = arith.addf %add3A_199, %get3A_207 : vector<16xf32>
      %mul3A_209 = arith.constant 20 : i32
      %mul3A_210 = arith.muli %scan3A_95, %mul3A_209 : i32
      %add3A_211 = arith.constant 13 : i32
      %add3A_212 = arith.addi %mul3A_210, %add3A_211 : i32
      %get3A_213 = arith.index_cast %add3A_212 : i32 to index
      %get3A_214 = arith.constant 0 : index
      %get3A_215 = tpu.vector_load %arg9[%get3A_213, %get3A_214] {strides = array<i32>} : memref<640x64xf32, #tpu.memory_space<vmem>>, vector<1x16xf32>,
      %get3A_216 = vector.shape_cast %get3A_215 : vector<1x16xf32> to vector<16xf32>
      %add3A_217 = arith.addf %add3A_208, %get3A_216 : vector<16xf32>
      %mul3A_218 = arith.constant 20 : i32
      %mul3A_219 = arith.muli %scan3A_95, %mul3A_218 : i32
      %add3A_220 = arith.constant 14 : i32
      %add3A_221 = arith.addi %mul3A_219, %add3A_220 : i32
      %get3A_222 = arith.index_cast %add3A_221 : i32 to index
      %get3A_223 = arith.constant 0 : index
      %get3A_224 = tpu.vector_load %arg9[%get3A_222, %get3A_223] {strides = array<i32>} : memref<640x64xf32, #tpu.memory_space<vmem>>, vector<1x16xf32>,
      %get3A_225 = vector.shape_cast %get3A_224 : vector<1x16xf32> to vector<16xf32>
      %add3A_226 = arith.addf %add3A_217, %get3A_225 : vector<16xf32>
      %mul3A_227 = arith.constant 20 : i32
      %mul3A_228 = arith.muli %scan3A_95, %mul3A_227 : i32
      %add3A_229 = arith.constant 15 : i32
      %add3A_230 = arith.addi %mul3A_228, %add3A_229 : i32
      %get3A_231 = arith.index_cast %add3A_230 : i32 to index
      %get3A_232 = arith.constant 0 : index
      %get3A_233 = tpu.vector_load %arg9[%get3A_231, %get3A_232] {strides = array<i32>} : memref<640x64xf32, #tpu.memory_space<vmem>>, vector<1x16xf32>,
      %get3A_234 = vector.shape_cast %get3A_233 : vector<1x16xf32> to vector<16xf32>
      %add3A_235 = arith.addf %add3A_226, %get3A_234 : vector<16xf32>
      %mul3A_236 = arith.constant 20 : i32
      %mul3A_237 = arith.muli %scan3A_95, %mul3A_236 : i32
      %add3A_238 = arith.constant 16 : i32
      %add3A_239 = arith.addi %mul3A_237, %add3A_238 : i32
      %get3A_240 = arith.index_cast %add3A_239 : i32 to index
      %get3A_241 = arith.constant 0 : index
      %get3A_242 = tpu.vector_load %arg9[%get3A_240, %get3A_241] {strides = array<i32>} : memref<640x64xf32, #tpu.memory_space<vmem>>, vector<1x16xf32>,
      %get3A_243 = vector.shape_cast %get3A_242 : vector<1x16xf32> to vector<16xf32>
      %add3A_244 = arith.addf %add3A_235, %get3A_243 : vector<16xf32>
      %mul3A_245 = arith.constant 20 : i32
      %mul3A_246 = arith.muli %scan3A_95, %mul3A_245 : i32
      %add3A_247 = arith.constant 17 : i32
      %add3A_248 = arith.addi %mul3A_246, %add3A_247 : i32
      %get3A_249 = arith.index_cast %add3A_248 : i32 to index
      %get3A_250 = arith.constant 0 : index
      %get3A_251 = tpu.vector_load %arg9[%get3A_249, %get3A_250] {strides = array<i32>} : memref<640x64xf32, #tpu.memory_space<vmem>>, vector<1x16xf32>,
      %get3A_252 = vector.shape_cast %get3A_251 : vector<1x16xf32> to vector<16xf32>
      %add3A_253 = arith.addf %add3A_244, %get3A_252 : vector<16xf32>
      %mul3A_254 = arith.constant 20 : i32
      %mul3A_255 = arith.muli %scan3A_95, %mul3A_254 : i32
      %add3A_256 = arith.constant 18 : i32
      %add3A_257 = arith.addi %mul3A_255, %add3A_256 : i32
      %get3A_258 = arith.index_cast %add3A_257 : i32 to index
      %get3A_259 = arith.constant 0 : index
      %get3A_260 = tpu.vector_load %arg9[%get3A_258, %get3A_259] {strides = array<i32>} : memref<640x64xf32, #tpu.memory_space<vmem>>, vector<1x16xf32>,
      %get3A_261 = vector.shape_cast %get3A_260 : vector<1x16xf32> to vector<16xf32>
      %add3A_262 = arith.addf %add3A_253, %get3A_261 : vector<16xf32>
      %mul3A_263 = arith.constant 20 : i32
      %mul3A_264 = arith.muli %scan3A_95, %mul3A_263 : i32
      %add3A_265 = arith.constant 19 : i32
      %add3A_266 = arith.addi %mul3A_264, %add3A_265 : i32
      %get3A_267 = arith.index_cast %add3A_266 : i32 to index
      %get3A_268 = arith.constant 0 : index
      %get3A_269 = tpu.vector_load %arg9[%get3A_267, %get3A_268] {strides = array<i32>} : memref<640x64xf32, #tpu.memory_space<vmem>>, vector<1x16xf32>,
      %get3A_270 = vector.shape_cast %get3A_269 : vector<1x16xf32> to vector<16xf32>
      %add3A_271 = arith.addf %add3A_262, %get3A_270 : vector<16xf32>
      %mul3A_272 = vector.broadcast %scan3A_89 : f32 to vector<16xf32>
      %mul3A_273 = arith.mulf %add3A_271, %mul3A_272 : vector<16xf32>
      %get3A_274 = arith.index_cast %scan3A_95 : i32 to index
      %get3A_275 = arith.constant 0 : index
      %get3A_276 = tpu.vector_load %arg10[%get3A_274, %get3A_275] {strides = array<i32>} : memref<32x64xf32, #tpu.memory_space<vmem>>, vector<1x16xf32>,
      %get3A_277 = vector.shape_cast %get3A_276 : vector<1x16xf32> to vector<16xf32>
      %add3A_278 = arith.addf %mul3A_273, %get3A_277 : vector<16xf32>
      %swap3A = arith.index_cast %scan3A_95 : i32 to index
      %swap3A_279 = arith.constant 0 : index
      %swap3A_280 = tpu.vector_load %arg11[%swap3A, %swap3A_279] {strides = array<i32>} : memref<32x64xf32, #tpu.memory_space<vmem>>, vector<1x16xf32>,
      %swap3A_281 = vector.shape_cast %swap3A_280 : vector<1x16xf32> to vector<16xf32>
      %swap3A_282 = vector.shape_cast %add3A_278 : vector<16xf32> to vector<1x16xf32>
      tpu.vector_store %arg11[%swap3A, %swap3A_279], %swap3A_282 {strides = array<i32>} : memref<32x64xf32, #tpu.memory_space<vmem>>, vector<1x16xf32>,
      %mul3A_283 = arith.constant 20 : i32
      %mul3A_284 = arith.muli %scan3A_95, %mul3A_283 : i32
      %get3A_285 = arith.index_cast %mul3A_284 : i32 to index
      %get3A_286 = arith.constant 16 : index
      %get3A_287 = tpu.vector_load %arg9[%get3A_285, %get3A_286] {strides = array<i32>} : memref<640x64xf32, #tpu.memory_space<vmem>>, vector<1x16xf32>,
      %get3A_288 = vector.shape_cast %get3A_287 : vector<1x16xf32> to vector<16xf32>
      %mul3A_289 = arith.constant 20 : i32
      %mul3A_290 = arith.muli %scan3A_95, %mul3A_289 : i32
      %add3A_291 = arith.constant 1 : i32
      %add3A_292 = arith.addi %mul3A_290, %add3A_291 : i32
      %get3A_293 = arith.index_cast %add3A_292 : i32 to index
      %get3A_294 = arith.constant 16 : index
      %get3A_295 = tpu.vector_load %arg9[%get3A_293, %get3A_294] {strides = array<i32>} : memref<640x64xf32, #tpu.memory_space<vmem>>, vector<1x16xf32>,
      %get3A_296 = vector.shape_cast %get3A_295 : vector<1x16xf32> to vector<16xf32>
      %add3A_297 = arith.addf %get3A_288, %get3A_296 : vector<16xf32>
      %mul3A_298 = arith.constant 20 : i32
      %mul3A_299 = arith.muli %scan3A_95, %mul3A_298 : i32
      %add3A_300 = arith.constant 2 : i32
      %add3A_301 = arith.addi %mul3A_299, %add3A_300 : i32
      %get3A_302 = arith.index_cast %add3A_301 : i32 to index
      %get3A_303 = arith.constant 16 : index
      %get3A_304 = tpu.vector_load %arg9[%get3A_302, %get3A_303] {strides = array<i32>} : memref<640x64xf32, #tpu.memory_space<vmem>>, vector<1x16xf32>,
      %get3A_305 = vector.shape_cast %get3A_304 : vector<1x16xf32> to vector<16xf32>
      %add3A_306 = arith.addf %add3A_297, %get3A_305 : vector<16xf32>
      %mul3A_307 = arith.constant 20 : i32
      %mul3A_308 = arith.muli %scan3A_95, %mul3A_307 : i32
      %add3A_309 = arith.constant 3 : i32
      %add3A_310 = arith.addi %mul3A_308, %add3A_309 : i32
      %get3A_311 = arith.index_cast %add3A_310 : i32 to index
      %get3A_312 = arith.constant 16 : index
      %get3A_313 = tpu.vector_load %arg9[%get3A_311, %get3A_312] {strides = array<i32>} : memref<640x64xf32, #tpu.memory_space<vmem>>, vector<1x16xf32>,
      %get3A_314 = vector.shape_cast %get3A_313 : vector<1x16xf32> to vector<16xf32>
      %add3A_315 = arith.addf %add3A_306, %get3A_314 : vector<16xf32>
      %mul3A_316 = arith.constant 20 : i32
      %mul3A_317 = arith.muli %scan3A_95, %mul3A_316 : i32
      %add3A_318 = arith.constant 4 : i32
      %add3A_319 = arith.addi %mul3A_317, %add3A_318 : i32
      %get3A_320 = arith.index_cast %add3A_319 : i32 to index
      %get3A_321 = arith.constant 16 : index
      %get3A_322 = tpu.vector_load %arg9[%get3A_320, %get3A_321] {strides = array<i32>} : memref<640x64xf32, #tpu.memory_space<vmem>>, vector<1x16xf32>,
      %get3A_323 = vector.shape_cast %get3A_322 : vector<1x16xf32> to vector<16xf32>
      %add3A_324 = arith.addf %add3A_315, %get3A_323 : vector<16xf32>
      %mul3A_325 = arith.constant 20 : i32
      %mul3A_326 = arith.muli %scan3A_95, %mul3A_325 : i32
      %add3A_327 = arith.constant 5 : i32
      %add3A_328 = arith.addi %mul3A_326, %add3A_327 : i32
      %get3A_329 = arith.index_cast %add3A_328 : i32 to index
      %get3A_330 = arith.constant 16 : index
      %get3A_331 = tpu.vector_load %arg9[%get3A_329, %get3A_330] {strides = array<i32>} : memref<640x64xf32, #tpu.memory_space<vmem>>, vector<1x16xf32>,
      %get3A_332 = vector.shape_cast %get3A_331 : vector<1x16xf32> to vector<16xf32>
      %add3A_333 = arith.addf %add3A_324, %get3A_332 : vector<16xf32>
      %mul3A_334 = arith.constant 20 : i32
      %mul3A_335 = arith.muli %scan3A_95, %mul3A_334 : i32
      %add3A_336 = arith.constant 6 : i32
      %add3A_337 = arith.addi %mul3A_335, %add3A_336 : i32
      %get3A_338 = arith.index_cast %add3A_337 : i32 to index
      %get3A_339 = arith.constant 16 : index
      %get3A_340 = tpu.vector_load %arg9[%get3A_338, %get3A_339] {strides = array<i32>} : memref<640x64xf32, #tpu.memory_space<vmem>>, vector<1x16xf32>,
      %get3A_341 = vector.shape_cast %get3A_340 : vector<1x16xf32> to vector<16xf32>
      %add3A_342 = arith.addf %add3A_333, %get3A_341 : vector<16xf32>
      %mul3A_343 = arith.constant 20 : i32
      %mul3A_344 = arith.muli %scan3A_95, %mul3A_343 : i32
      %add3A_345 = arith.constant 7 : i32
      %add3A_346 = arith.addi %mul3A_344, %add3A_345 : i32
      %get3A_347 = arith.index_cast %add3A_346 : i32 to index
      %get3A_348 = arith.constant 16 : index
      %get3A_349 = tpu.vector_load %arg9[%get3A_347, %get3A_348] {strides = array<i32>} : memref<640x64xf32, #tpu.memory_space<vmem>>, vector<1x16xf32>,
      %get3A_350 = vector.shape_cast %get3A_349 : vector<1x16xf32> to vector<16xf32>
      %add3A_351 = arith.addf %add3A_342, %get3A_350 : vector<16xf32>
      %mul3A_352 = arith.constant 20 : i32
      %mul3A_353 = arith.muli %scan3A_95, %mul3A_352 : i32
      %add3A_354 = arith.constant 8 : i32
      %add3A_355 = arith.addi %mul3A_353, %add3A_354 : i32
      %get3A_356 = arith.index_cast %add3A_355 : i32 to index
      %get3A_357 = arith.constant 16 : index
      %get3A_358 = tpu.vector_load %arg9[%get3A_356, %get3A_357] {strides = array<i32>} : memref<640x64xf32, #tpu.memory_space<vmem>>, vector<1x16xf32>,
      %get3A_359 = vector.shape_cast %get3A_358 : vector<1x16xf32> to vector<16xf32>
      %add3A_360 = arith.addf %add3A_351, %get3A_359 : vector<16xf32>
      %mul3A_361 = arith.constant 20 : i32
      %mul3A_362 = arith.muli %scan3A_95, %mul3A_361 : i32
      %add3A_363 = arith.constant 9 : i32
      %add3A_364 = arith.addi %mul3A_362, %add3A_363 : i32
      %get3A_365 = arith.index_cast %add3A_364 : i32 to index
      %get3A_366 = arith.constant 16 : index
      %get3A_367 = tpu.vector_load %arg9[%get3A_365, %get3A_366] {strides = array<i32>} : memref<640x64xf32, #tpu.memory_space<vmem>>, vector<1x16xf32>,
      %get3A_368 = vector.shape_cast %get3A_367 : vector<1x16xf32> to vector<16xf32>
      %add3A_369 = arith.addf %add3A_360, %get3A_368 : vector<16xf32>
      %mul3A_370 = arith.constant 20 : i32
      %mul3A_371 = arith.muli %scan3A_95, %mul3A_370 : i32
      %add3A_372 = arith.constant 10 : i32
      %add3A_373 = arith.addi %mul3A_371, %add3A_372 : i32
      %get3A_374 = arith.index_cast %add3A_373 : i32 to index
      %get3A_375 = arith.constant 16 : index
      %get3A_376 = tpu.vector_load %arg9[%get3A_374, %get3A_375] {strides = array<i32>} : memref<640x64xf32, #tpu.memory_space<vmem>>, vector<1x16xf32>,
      %get3A_377 = vector.shape_cast %get3A_376 : vector<1x16xf32> to vector<16xf32>
      %add3A_378 = arith.addf %add3A_369, %get3A_377 : vector<16xf32>
      %mul3A_379 = arith.constant 20 : i32
      %mul3A_380 = arith.muli %scan3A_95, %mul3A_379 : i32
      %add3A_381 = arith.constant 11 : i32
      %add3A_382 = arith.addi %mul3A_380, %add3A_381 : i32
      %get3A_383 = arith.index_cast %add3A_382 : i32 to index
      %get3A_384 = arith.constant 16 : index
      %get3A_385 = tpu.vector_load %arg9[%get3A_383, %get3A_384] {strides = array<i32>} : memref<640x64xf32, #tpu.memory_space<vmem>>, vector<1x16xf32>,
      %get3A_386 = vector.shape_cast %get3A_385 : vector<1x16xf32> to vector<16xf32>
      %add3A_387 = arith.addf %add3A_378, %get3A_386 : vector<16xf32>
      %mul3A_388 = arith.constant 20 : i32
      %mul3A_389 = arith.muli %scan3A_95, %mul3A_388 : i32
      %add3A_390 = arith.constant 12 : i32
      %add3A_391 = arith.addi %mul3A_389, %add3A_390 : i32
      %get3A_392 = arith.index_cast %add3A_391 : i32 to index
      %get3A_393 = arith.constant 16 : index
      %get3A_394 = tpu.vector_load %arg9[%get3A_392, %get3A_393] {strides = array<i32>} : memref<640x64xf32, #tpu.memory_space<vmem>>, vector<1x16xf32>,
      %get3A_395 = vector.shape_cast %get3A_394 : vector<1x16xf32> to vector<16xf32>
      %add3A_396 = arith.addf %add3A_387, %get3A_395 : vector<16xf32>
      %mul3A_397 = arith.constant 20 : i32
      %mul3A_398 = arith.muli %scan3A_95, %mul3A_397 : i32
      %add3A_399 = arith.constant 13 : i32
      %add3A_400 = arith.addi %mul3A_398, %add3A_399 : i32
      %get3A_401 = arith.index_cast %add3A_400 : i32 to index
      %get3A_402 = arith.constant 16 : index
      %get3A_403 = tpu.vector_load %arg9[%get3A_401, %get3A_402] {strides = array<i32>} : memref<640x64xf32, #tpu.memory_space<vmem>>, vector<1x16xf32>,
      %get3A_404 = vector.shape_cast %get3A_403 : vector<1x16xf32> to vector<16xf32>
      %add3A_405 = arith.addf %add3A_396, %get3A_404 : vector<16xf32>
      %mul3A_406 = arith.constant 20 : i32
      %mul3A_407 = arith.muli %scan3A_95, %mul3A_406 : i32
      %add3A_408 = arith.constant 14 : i32
      %add3A_409 = arith.addi %mul3A_407, %add3A_408 : i32
      %get3A_410 = arith.index_cast %add3A_409 : i32 to index
      %get3A_411 = arith.constant 16 : index
      %get3A_412 = tpu.vector_load %arg9[%get3A_410, %get3A_411] {strides = array<i32>} : memref<640x64xf32, #tpu.memory_space<vmem>>, vector<1x16xf32>,
      %get3A_413 = vector.shape_cast %get3A_412 : vector<1x16xf32> to vector<16xf32>
      %add3A_414 = arith.addf %add3A_405, %get3A_413 : vector<16xf32>
      %mul3A_415 = arith.constant 20 : i32
      %mul3A_416 = arith.muli %scan3A_95, %mul3A_415 : i32
      %add3A_417 = arith.constant 15 : i32
      %add3A_418 = arith.addi %mul3A_416, %add3A_417 : i32
      %get3A_419 = arith.index_cast %add3A_418 : i32 to index
      %get3A_420 = arith.constant 16 : index
      %get3A_421 = tpu.vector_load %arg9[%get3A_419, %get3A_420] {strides = array<i32>} : memref<640x64xf32, #tpu.memory_space<vmem>>, vector<1x16xf32>,
      %get3A_422 = vector.shape_cast %get3A_421 : vector<1x16xf32> to vector<16xf32>
      %add3A_423 = arith.addf %add3A_414, %get3A_422 : vector<16xf32>
      %mul3A_424 = arith.constant 20 : i32
      %mul3A_425 = arith.muli %scan3A_95, %mul3A_424 : i32
      %add3A_426 = arith.constant 16 : i32
      %add3A_427 = arith.addi %mul3A_425, %add3A_426 : i32
      %get3A_428 = arith.index_cast %add3A_427 : i32 to index
      %get3A_429 = arith.constant 16 : index
      %get3A_430 = tpu.vector_load %arg9[%get3A_428, %get3A_429] {strides = array<i32>} : memref<640x64xf32, #tpu.memory_space<vmem>>, vector<1x16xf32>,
      %get3A_431 = vector.shape_cast %get3A_430 : vector<1x16xf32> to vector<16xf32>
      %add3A_432 = arith.addf %add3A_423, %get3A_431 : vector<16xf32>
      %mul3A_433 = arith.constant 20 : i32
      %mul3A_434 = arith.muli %scan3A_95, %mul3A_433 : i32
      %add3A_435 = arith.constant 17 : i32
      %add3A_436 = arith.addi %mul3A_434, %add3A_435 : i32
      %get3A_437 = arith.index_cast %add3A_436 : i32 to index
      %get3A_438 = arith.constant 16 : index
      %get3A_439 = tpu.vector_load %arg9[%get3A_437, %get3A_438] {strides = array<i32>} : memref<640x64xf32, #tpu.memory_space<vmem>>, vector<1x16xf32>,
      %get3A_440 = vector.shape_cast %get3A_439 : vector<1x16xf32> to vector<16xf32>
      %add3A_441 = arith.addf %add3A_432, %get3A_440 : vector<16xf32>
      %mul3A_442 = arith.constant 20 : i32
      %mul3A_443 = arith.muli %scan3A_95, %mul3A_442 : i32
      %add3A_444 = arith.constant 18 : i32
      %add3A_445 = arith.addi %mul3A_443, %add3A_444 : i32
      %get3A_446 = arith.index_cast %add3A_445 : i32 to index
      %get3A_447 = arith.constant 16 : index
      %get3A_448 = tpu.vector_load %arg9[%get3A_446, %get3A_447] {strides = array<i32>} : memref<640x64xf32, #tpu.memory_space<vmem>>, vector<1x16xf32>,
      %get3A_449 = vector.shape_cast %get3A_448 : vector<1x16xf32> to vector<16xf32>
      %add3A_450 = arith.addf %add3A_441, %get3A_449 : vector<16xf32>
      %mul3A_451 = arith.constant 20 : i32
      %mul3A_452 = arith.muli %scan3A_95, %mul3A_451 : i32
      %add3A_453 = arith.constant 19 : i32
      %add3A_454 = arith.addi %mul3A_452, %add3A_453 : i32
      %get3A_455 = arith.index_cast %add3A_454 : i32 to index
      %get3A_456 = arith.constant 16 : index
      %get3A_457 = tpu.vector_load %arg9[%get3A_455, %get3A_456] {strides = array<i32>} : memref<640x64xf32, #tpu.memory_space<vmem>>, vector<1x16xf32>,
      %get3A_458 = vector.shape_cast %get3A_457 : vector<1x16xf32> to vector<16xf32>
      %add3A_459 = arith.addf %add3A_450, %get3A_458 : vector<16xf32>
      %mul3A_460 = vector.broadcast %scan3A_89 : f32 to vector<16xf32>
      %mul3A_461 = arith.mulf %add3A_459, %mul3A_460 : vector<16xf32>
      %get3A_462 = arith.index_cast %scan3A_95 : i32 to index
      %get3A_463 = arith.constant 16 : index
      %get3A_464 = tpu.vector_load %arg10[%get3A_462, %get3A_463] {strides = array<i32>} : memref<32x64xf32, #tpu.memory_space<vmem>>, vector<1x16xf32>,
      %get3A_465 = vector.shape_cast %get3A_464 : vector<1x16xf32> to vector<16xf32>
      %add3A_466 = arith.addf %mul3A_461, %get3A_465 : vector<16xf32>
      %swap3A_467 = arith.index_cast %scan3A_95 : i32 to index
      %swap3A_468 = arith.constant 16 : index
      %swap3A_469 = tpu.vector_load %arg11[%swap3A_467, %swap3A_468] {strides = array<i32>} : memref<32x64xf32, #tpu.memory_space<vmem>>, vector<1x16xf32>,
      %swap3A_470 = vector.shape_cast %swap3A_469 : vector<1x16xf32> to vector<16xf32>
      %swap3A_471 = vector.shape_cast %add3A_466 : vector<16xf32> to vector<1x16xf32>
      tpu.vector_store %arg11[%swap3A_467, %swap3A_468], %swap3A_471 {strides = array<i32>} : memref<32x64xf32, #tpu.memory_space<vmem>>, vector<1x16xf32>,
      %mul3A_472 = arith.constant 20 : i32
      %mul3A_473 = arith.muli %scan3A_95, %mul3A_472 : i32
      %get3A_474 = arith.index_cast %mul3A_473 : i32 to index
      %get3A_475 = arith.constant 32 : index
      %get3A_476 = tpu.vector_load %arg9[%get3A_474, %get3A_475] {strides = array<i32>} : memref<640x64xf32, #tpu.memory_space<vmem>>, vector<1x16xf32>,
      %get3A_477 = vector.shape_cast %get3A_476 : vector<1x16xf32> to vector<16xf32>
      %mul3A_478 = arith.constant 20 : i32
      %mul3A_479 = arith.muli %scan3A_95, %mul3A_478 : i32
      %add3A_480 = arith.constant 1 : i32
      %add3A_481 = arith.addi %mul3A_479, %add3A_480 : i32
      %get3A_482 = arith.index_cast %add3A_481 : i32 to index
      %get3A_483 = arith.constant 32 : index
      %get3A_484 = tpu.vector_load %arg9[%get3A_482, %get3A_483] {strides = array<i32>} : memref<640x64xf32, #tpu.memory_space<vmem>>, vector<1x16xf32>,
      %get3A_485 = vector.shape_cast %get3A_484 : vector<1x16xf32> to vector<16xf32>
      %add3A_486 = arith.addf %get3A_477, %get3A_485 : vector<16xf32>
      %mul3A_487 = arith.constant 20 : i32
      %mul3A_488 = arith.muli %scan3A_95, %mul3A_487 : i32
      %add3A_489 = arith.constant 2 : i32
      %add3A_490 = arith.addi %mul3A_488, %add3A_489 : i32
      %get3A_491 = arith.index_cast %add3A_490 : i32 to index
      %get3A_492 = arith.constant 32 : index
      %get3A_493 = tpu.vector_load %arg9[%get3A_491, %get3A_492] {strides = array<i32>} : memref<640x64xf32, #tpu.memory_space<vmem>>, vector<1x16xf32>,
      %get3A_494 = vector.shape_cast %get3A_493 : vector<1x16xf32> to vector<16xf32>
      %add3A_495 = arith.addf %add3A_486, %get3A_494 : vector<16xf32>
      %mul3A_496 = arith.constant 20 : i32
      %mul3A_497 = arith.muli %scan3A_95, %mul3A_496 : i32
      %add3A_498 = arith.constant 3 : i32
      %add3A_499 = arith.addi %mul3A_497, %add3A_498 : i32
      %get3A_500 = arith.index_cast %add3A_499 : i32 to index
      %get3A_501 = arith.constant 32 : index
      %get3A_502 = tpu.vector_load %arg9[%get3A_500, %get3A_501] {strides = array<i32>} : memref<640x64xf32, #tpu.memory_space<vmem>>, vector<1x16xf32>,
      %get3A_503 = vector.shape_cast %get3A_502 : vector<1x16xf32> to vector<16xf32>
      %add3A_504 = arith.addf %add3A_495, %get3A_503 : vector<16xf32>
      %mul3A_505 = arith.constant 20 : i32
      %mul3A_506 = arith.muli %scan3A_95, %mul3A_505 : i32
      %add3A_507 = arith.constant 4 : i32
      %add3A_508 = arith.addi %mul3A_506, %add3A_507 : i32
      %get3A_509 = arith.index_cast %add3A_508 : i32 to index
      %get3A_510 = arith.constant 32 : index
      %get3A_511 = tpu.vector_load %arg9[%get3A_509, %get3A_510] {strides = array<i32>} : memref<640x64xf32, #tpu.memory_space<vmem>>, vector<1x16xf32>,
      %get3A_512 = vector.shape_cast %get3A_511 : vector<1x16xf32> to vector<16xf32>
      %add3A_513 = arith.addf %add3A_504, %get3A_512 : vector<16xf32>
      %mul3A_514 = arith.constant 20 : i32
      %mul3A_515 = arith.muli %scan3A_95, %mul3A_514 : i32
      %add3A_516 = arith.constant 5 : i32
      %add3A_517 = arith.addi %mul3A_515, %add3A_516 : i32
      %get3A_518 = arith.index_cast %add3A_517 : i32 to index
      %get3A_519 = arith.constant 32 : index
      %get3A_520 = tpu.vector_load %arg9[%get3A_518, %get3A_519] {strides = array<i32>} : memref<640x64xf32, #tpu.memory_space<vmem>>, vector<1x16xf32>,
      %get3A_521 = vector.shape_cast %get3A_520 : vector<1x16xf32> to vector<16xf32>
      %add3A_522 = arith.addf %add3A_513, %get3A_521 : vector<16xf32>
      %mul3A_523 = arith.constant 20 : i32
      %mul3A_524 = arith.muli %scan3A_95, %mul3A_523 : i32
      %add3A_525 = arith.constant 6 : i32
      %add3A_526 = arith.addi %mul3A_524, %add3A_525 : i32
      %get3A_527 = arith.index_cast %add3A_526 : i32 to index
      %get3A_528 = arith.constant 32 : index
      %get3A_529 = tpu.vector_load %arg9[%get3A_527, %get3A_528] {strides = array<i32>} : memref<640x64xf32, #tpu.memory_space<vmem>>, vector<1x16xf32>,
      %get3A_530 = vector.shape_cast %get3A_529 : vector<1x16xf32> to vector<16xf32>
      %add3A_531 = arith.addf %add3A_522, %get3A_530 : vector<16xf32>
      %mul3A_532 = arith.constant 20 : i32
      %mul3A_533 = arith.muli %scan3A_95, %mul3A_532 : i32
      %add3A_534 = arith.constant 7 : i32
      %add3A_535 = arith.addi %mul3A_533, %add3A_534 : i32
      %get3A_536 = arith.index_cast %add3A_535 : i32 to index
      %get3A_537 = arith.constant 32 : index
      %get3A_538 = tpu.vector_load %arg9[%get3A_536, %get3A_537] {strides = array<i32>} : memref<640x64xf32, #tpu.memory_space<vmem>>, vector<1x16xf32>,
      %get3A_539 = vector.shape_cast %get3A_538 : vector<1x16xf32> to vector<16xf32>
      %add3A_540 = arith.addf %add3A_531, %get3A_539 : vector<16xf32>
      %mul3A_541 = arith.constant 20 : i32
      %mul3A_542 = arith.muli %scan3A_95, %mul3A_541 : i32
      %add3A_543 = arith.constant 8 : i32
      %add3A_544 = arith.addi %mul3A_542, %add3A_543 : i32
      %get3A_545 = arith.index_cast %add3A_544 : i32 to index
      %get3A_546 = arith.constant 32 : index
      %get3A_547 = tpu.vector_load %arg9[%get3A_545, %get3A_546] {strides = array<i32>} : memref<640x64xf32, #tpu.memory_space<vmem>>, vector<1x16xf32>,
      %get3A_548 = vector.shape_cast %get3A_547 : vector<1x16xf32> to vector<16xf32>
      %add3A_549 = arith.addf %add3A_540, %get3A_548 : vector<16xf32>
      %mul3A_550 = arith.constant 20 : i32
      %mul3A_551 = arith.muli %scan3A_95, %mul3A_550 : i32
      %add3A_552 = arith.constant 9 : i32
      %add3A_553 = arith.addi %mul3A_551, %add3A_552 : i32
      %get3A_554 = arith.index_cast %add3A_553 : i32 to index
      %get3A_555 = arith.constant 32 : index
      %get3A_556 = tpu.vector_load %arg9[%get3A_554, %get3A_555] {strides = array<i32>} : memref<640x64xf32, #tpu.memory_space<vmem>>, vector<1x16xf32>,
      %get3A_557 = vector.shape_cast %get3A_556 : vector<1x16xf32> to vector<16xf32>
      %add3A_558 = arith.addf %add3A_549, %get3A_557 : vector<16xf32>
      %mul3A_559 = arith.constant 20 : i32
      %mul3A_560 = arith.muli %scan3A_95, %mul3A_559 : i32
      %add3A_561 = arith.constant 10 : i32
      %add3A_562 = arith.addi %mul3A_560, %add3A_561 : i32
      %get3A_563 = arith.index_cast %add3A_562 : i32 to index
      %get3A_564 = arith.constant 32 : index
      %get3A_565 = tpu.vector_load %arg9[%get3A_563, %get3A_564] {strides = array<i32>} : memref<640x64xf32, #tpu.memory_space<vmem>>, vector<1x16xf32>,
      %get3A_566 = vector.shape_cast %get3A_565 : vector<1x16xf32> to vector<16xf32>
      %add3A_567 = arith.addf %add3A_558, %get3A_566 : vector<16xf32>
      %mul3A_568 = arith.constant 20 : i32
      %mul3A_569 = arith.muli %scan3A_95, %mul3A_568 : i32
      %add3A_570 = arith.constant 11 : i32
      %add3A_571 = arith.addi %mul3A_569, %add3A_570 : i32
      %get3A_572 = arith.index_cast %add3A_571 : i32 to index
      %get3A_573 = arith.constant 32 : index
      %get3A_574 = tpu.vector_load %arg9[%get3A_572, %get3A_573] {strides = array<i32>} : memref<640x64xf32, #tpu.memory_space<vmem>>, vector<1x16xf32>,
      %get3A_575 = vector.shape_cast %get3A_574 : vector<1x16xf32> to vector<16xf32>
      %add3A_576 = arith.addf %add3A_567, %get3A_575 : vector<16xf32>
      %mul3A_577 = arith.constant 20 : i32
      %mul3A_578 = arith.muli %scan3A_95, %mul3A_577 : i32
      %add3A_579 = arith.constant 12 : i32
      %add3A_580 = arith.addi %mul3A_578, %add3A_579 : i32
      %get3A_581 = arith.index_cast %add3A_580 : i32 to index
      %get3A_582 = arith.constant 32 : index
      %get3A_583 = tpu.vector_load %arg9[%get3A_581, %get3A_582] {strides = array<i32>} : memref<640x64xf32, #tpu.memory_space<vmem>>, vector<1x16xf32>,
      %get3A_584 = vector.shape_cast %get3A_583 : vector<1x16xf32> to vector<16xf32>
      %add3A_585 = arith.addf %add3A_576, %get3A_584 : vector<16xf32>
      %mul3A_586 = arith.constant 20 : i32
      %mul3A_587 = arith.muli %scan3A_95, %mul3A_586 : i32
      %add3A_588 = arith.constant 13 : i32
      %add3A_589 = arith.addi %mul3A_587, %add3A_588 : i32
      %get3A_590 = arith.index_cast %add3A_589 : i32 to index
      %get3A_591 = arith.constant 32 : index
      %get3A_592 = tpu.vector_load %arg9[%get3A_590, %get3A_591] {strides = array<i32>} : memref<640x64xf32, #tpu.memory_space<vmem>>, vector<1x16xf32>,
      %get3A_593 = vector.shape_cast %get3A_592 : vector<1x16xf32> to vector<16xf32>
      %add3A_594 = arith.addf %add3A_585, %get3A_593 : vector<16xf32>
      %mul3A_595 = arith.constant 20 : i32
      %mul3A_596 = arith.muli %scan3A_95, %mul3A_595 : i32
      %add3A_597 = arith.constant 14 : i32
      %add3A_598 = arith.addi %mul3A_596, %add3A_597 : i32
      %get3A_599 = arith.index_cast %add3A_598 : i32 to index
      %get3A_600 = arith.constant 32 : index
      %get3A_601 = tpu.vector_load %arg9[%get3A_599, %get3A_600] {strides = array<i32>} : memref<640x64xf32, #tpu.memory_space<vmem>>, vector<1x16xf32>,
      %get3A_602 = vector.shape_cast %get3A_601 : vector<1x16xf32> to vector<16xf32>
      %add3A_603 = arith.addf %add3A_594, %get3A_602 : vector<16xf32>
      %mul3A_604 = arith.constant 20 : i32
      %mul3A_605 = arith.muli %scan3A_95, %mul3A_604 : i32
      %add3A_606 = arith.constant 15 : i32
      %add3A_607 = arith.addi %mul3A_605, %add3A_606 : i32
      %get3A_608 = arith.index_cast %add3A_607 : i32 to index
      %get3A_609 = arith.constant 32 : index
      %get3A_610 = tpu.vector_load %arg9[%get3A_608, %get3A_609] {strides = array<i32>} : memref<640x64xf32, #tpu.memory_space<vmem>>, vector<1x16xf32>,
      %get3A_611 = vector.shape_cast %get3A_610 : vector<1x16xf32> to vector<16xf32>
      %add3A_612 = arith.addf %add3A_603, %get3A_611 : vector<16xf32>
      %mul3A_613 = arith.constant 20 : i32
      %mul3A_614 = arith.muli %scan3A_95, %mul3A_613 : i32
      %add3A_615 = arith.constant 16 : i32
      %add3A_616 = arith.addi %mul3A_614, %add3A_615 : i32
      %get3A_617 = arith.index_cast %add3A_616 : i32 to index
      %get3A_618 = arith.constant 32 : index
      %get3A_619 = tpu.vector_load %arg9[%get3A_617, %get3A_618] {strides = array<i32>} : memref<640x64xf32, #tpu.memory_space<vmem>>, vector<1x16xf32>,
      %get3A_620 = vector.shape_cast %get3A_619 : vector<1x16xf32> to vector<16xf32>
      %add3A_621 = arith.addf %add3A_612, %get3A_620 : vector<16xf32>
      %mul3A_622 = arith.constant 20 : i32
      %mul3A_623 = arith.muli %scan3A_95, %mul3A_622 : i32
      %add3A_624 = arith.constant 17 : i32
      %add3A_625 = arith.addi %mul3A_623, %add3A_624 : i32
      %get3A_626 = arith.index_cast %add3A_625 : i32 to index
      %get3A_627 = arith.constant 32 : index
      %get3A_628 = tpu.vector_load %arg9[%get3A_626, %get3A_627] {strides = array<i32>} : memref<640x64xf32, #tpu.memory_space<vmem>>, vector<1x16xf32>,
      %get3A_629 = vector.shape_cast %get3A_628 : vector<1x16xf32> to vector<16xf32>
      %add3A_630 = arith.addf %add3A_621, %get3A_629 : vector<16xf32>
      %mul3A_631 = arith.constant 20 : i32
      %mul3A_632 = arith.muli %scan3A_95, %mul3A_631 : i32
      %add3A_633 = arith.constant 18 : i32
      %add3A_634 = arith.addi %mul3A_632, %add3A_633 : i32
      %get3A_635 = arith.index_cast %add3A_634 : i32 to index
      %get3A_636 = arith.constant 32 : index
      %get3A_637 = tpu.vector_load %arg9[%get3A_635, %get3A_636] {strides = array<i32>} : memref<640x64xf32, #tpu.memory_space<vmem>>, vector<1x16xf32>,
      %get3A_638 = vector.shape_cast %get3A_637 : vector<1x16xf32> to vector<16xf32>
      %add3A_639 = arith.addf %add3A_630, %get3A_638 : vector<16xf32>
      %mul3A_640 = arith.constant 20 : i32
      %mul3A_641 = arith.muli %scan3A_95, %mul3A_640 : i32
      %add3A_642 = arith.constant 19 : i32
      %add3A_643 = arith.addi %mul3A_641, %add3A_642 : i32
      %get3A_644 = arith.index_cast %add3A_643 : i32 to index
      %get3A_645 = arith.constant 32 : index
      %get3A_646 = tpu.vector_load %arg9[%get3A_644, %get3A_645] {strides = array<i32>} : memref<640x64xf32, #tpu.memory_space<vmem>>, vector<1x16xf32>,
      %get3A_647 = vector.shape_cast %get3A_646 : vector<1x16xf32> to vector<16xf32>
      %add3A_648 = arith.addf %add3A_639, %get3A_647 : vector<16xf32>
      %mul3A_649 = vector.broadcast %scan3A_89 : f32 to vector<16xf32>
      %mul3A_650 = arith.mulf %add3A_648, %mul3A_649 : vector<16xf32>
      %get3A_651 = arith.index_cast %scan3A_95 : i32 to index
      %get3A_652 = arith.constant 32 : index
      %get3A_653 = tpu.vector_load %arg10[%get3A_651, %get3A_652] {strides = array<i32>} : memref<32x64xf32, #tpu.memory_space<vmem>>, vector<1x16xf32>,
      %get3A_654 = vector.shape_cast %get3A_653 : vector<1x16xf32> to vector<16xf32>
      %add3A_655 = arith.addf %mul3A_650, %get3A_654 : vector<16xf32>
      %swap3A_656 = arith.index_cast %scan3A_95 : i32 to index
      %swap3A_657 = arith.constant 32 : index
      %swap3A_658 = tpu.vector_load %arg11[%swap3A_656, %swap3A_657] {strides = array<i32>} : memref<32x64xf32, #tpu.memory_space<vmem>>, vector<1x16xf32>,
      %swap3A_659 = vector.shape_cast %swap3A_658 : vector<1x16xf32> to vector<16xf32>
      %swap3A_660 = vector.shape_cast %add3A_655 : vector<16xf32> to vector<1x16xf32>
      tpu.vector_store %arg11[%swap3A_656, %swap3A_657], %swap3A_660 {strides = array<i32>} : memref<32x64xf32, #tpu.memory_space<vmem>>, vector<1x16xf32>,
      %mul3A_661 = arith.constant 20 : i32
      %mul3A_662 = arith.muli %scan3A_95, %mul3A_661 : i32
      %get3A_663 = arith.index_cast %mul3A_662 : i32 to index
      %get3A_664 = arith.constant 48 : index
      %get3A_665 = tpu.vector_load %arg9[%get3A_663, %get3A_664] {strides = array<i32>} : memref<640x64xf32, #tpu.memory_space<vmem>>, vector<1x16xf32>,
      %get3A_666 = vector.shape_cast %get3A_665 : vector<1x16xf32> to vector<16xf32>
      %mul3A_667 = arith.constant 20 : i32
      %mul3A_668 = arith.muli %scan3A_95, %mul3A_667 : i32
      %add3A_669 = arith.constant 1 : i32
      %add3A_670 = arith.addi %mul3A_668, %add3A_669 : i32
      %get3A_671 = arith.index_cast %add3A_670 : i32 to index
      %get3A_672 = arith.constant 48 : index
      %get3A_673 = tpu.vector_load %arg9[%get3A_671, %get3A_672] {strides = array<i32>} : memref<640x64xf32, #tpu.memory_space<vmem>>, vector<1x16xf32>,
      %get3A_674 = vector.shape_cast %get3A_673 : vector<1x16xf32> to vector<16xf32>
      %add3A_675 = arith.addf %get3A_666, %get3A_674 : vector<16xf32>
      %mul3A_676 = arith.constant 20 : i32
      %mul3A_677 = arith.muli %scan3A_95, %mul3A_676 : i32
      %add3A_678 = arith.constant 2 : i32
      %add3A_679 = arith.addi %mul3A_677, %add3A_678 : i32
      %get3A_680 = arith.index_cast %add3A_679 : i32 to index
      %get3A_681 = arith.constant 48 : index
      %get3A_682 = tpu.vector_load %arg9[%get3A_680, %get3A_681] {strides = array<i32>} : memref<640x64xf32, #tpu.memory_space<vmem>>, vector<1x16xf32>,
      %get3A_683 = vector.shape_cast %get3A_682 : vector<1x16xf32> to vector<16xf32>
      %add3A_684 = arith.addf %add3A_675, %get3A_683 : vector<16xf32>
      %mul3A_685 = arith.constant 20 : i32
      %mul3A_686 = arith.muli %scan3A_95, %mul3A_685 : i32
      %add3A_687 = arith.constant 3 : i32
      %add3A_688 = arith.addi %mul3A_686, %add3A_687 : i32
      %get3A_689 = arith.index_cast %add3A_688 : i32 to index
      %get3A_690 = arith.constant 48 : index
      %get3A_691 = tpu.vector_load %arg9[%get3A_689, %get3A_690] {strides = array<i32>} : memref<640x64xf32, #tpu.memory_space<vmem>>, vector<1x16xf32>,
      %get3A_692 = vector.shape_cast %get3A_691 : vector<1x16xf32> to vector<16xf32>
      %add3A_693 = arith.addf %add3A_684, %get3A_692 : vector<16xf32>
      %mul3A_694 = arith.constant 20 : i32
      %mul3A_695 = arith.muli %scan3A_95, %mul3A_694 : i32
      %add3A_696 = arith.constant 4 : i32
      %add3A_697 = arith.addi %mul3A_695, %add3A_696 : i32
      %get3A_698 = arith.index_cast %add3A_697 : i32 to index
      %get3A_699 = arith.constant 48 : index
      %get3A_700 = tpu.vector_load %arg9[%get3A_698, %get3A_699] {strides = array<i32>} : memref<640x64xf32, #tpu.memory_space<vmem>>, vector<1x16xf32>,
      %get3A_701 = vector.shape_cast %get3A_700 : vector<1x16xf32> to vector<16xf32>
      %add3A_702 = arith.addf %add3A_693, %get3A_701 : vector<16xf32>
      %mul3A_703 = arith.constant 20 : i32
      %mul3A_704 = arith.muli %scan3A_95, %mul3A_703 : i32
      %add3A_705 = arith.constant 5 : i32
      %add3A_706 = arith.addi %mul3A_704, %add3A_705 : i32
      %get3A_707 = arith.index_cast %add3A_706 : i32 to index
      %get3A_708 = arith.constant 48 : index
      %get3A_709 = tpu.vector_load %arg9[%get3A_707, %get3A_708] {strides = array<i32>} : memref<640x64xf32, #tpu.memory_space<vmem>>, vector<1x16xf32>,
      %get3A_710 = vector.shape_cast %get3A_709 : vector<1x16xf32> to vector<16xf32>
      %add3A_711 = arith.addf %add3A_702, %get3A_710 : vector<16xf32>
      %mul3A_712 = arith.constant 20 : i32
      %mul3A_713 = arith.muli %scan3A_95, %mul3A_712 : i32
      %add3A_714 = arith.constant 6 : i32
      %add3A_715 = arith.addi %mul3A_713, %add3A_714 : i32
      %get3A_716 = arith.index_cast %add3A_715 : i32 to index
      %get3A_717 = arith.constant 48 : index
      %get3A_718 = tpu.vector_load %arg9[%get3A_716, %get3A_717] {strides = array<i32>} : memref<640x64xf32, #tpu.memory_space<vmem>>, vector<1x16xf32>,
      %get3A_719 = vector.shape_cast %get3A_718 : vector<1x16xf32> to vector<16xf32>
      %add3A_720 = arith.addf %add3A_711, %get3A_719 : vector<16xf32>
      %mul3A_721 = arith.constant 20 : i32
      %mul3A_722 = arith.muli %scan3A_95, %mul3A_721 : i32
      %add3A_723 = arith.constant 7 : i32
      %add3A_724 = arith.addi %mul3A_722, %add3A_723 : i32
      %get3A_725 = arith.index_cast %add3A_724 : i32 to index
      %get3A_726 = arith.constant 48 : index
      %get3A_727 = tpu.vector_load %arg9[%get3A_725, %get3A_726] {strides = array<i32>} : memref<640x64xf32, #tpu.memory_space<vmem>>, vector<1x16xf32>,
      %get3A_728 = vector.shape_cast %get3A_727 : vector<1x16xf32> to vector<16xf32>
      %add3A_729 = arith.addf %add3A_720, %get3A_728 : vector<16xf32>
      %mul3A_730 = arith.constant 20 : i32
      %mul3A_731 = arith.muli %scan3A_95, %mul3A_730 : i32
      %add3A_732 = arith.constant 8 : i32
      %add3A_733 = arith.addi %mul3A_731, %add3A_732 : i32
      %get3A_734 = arith.index_cast %add3A_733 : i32 to index
      %get3A_735 = arith.constant 48 : index
      %get3A_736 = tpu.vector_load %arg9[%get3A_734, %get3A_735] {strides = array<i32>} : memref<640x64xf32, #tpu.memory_space<vmem>>, vector<1x16xf32>,
      %get3A_737 = vector.shape_cast %get3A_736 : vector<1x16xf32> to vector<16xf32>
      %add3A_738 = arith.addf %add3A_729, %get3A_737 : vector<16xf32>
      %mul3A_739 = arith.constant 20 : i32
      %mul3A_740 = arith.muli %scan3A_95, %mul3A_739 : i32
      %add3A_741 = arith.constant 9 : i32
      %add3A_742 = arith.addi %mul3A_740, %add3A_741 : i32
      %get3A_743 = arith.index_cast %add3A_742 : i32 to index
      %get3A_744 = arith.constant 48 : index
      %get3A_745 = tpu.vector_load %arg9[%get3A_743, %get3A_744] {strides = array<i32>} : memref<640x64xf32, #tpu.memory_space<vmem>>, vector<1x16xf32>,
      %get3A_746 = vector.shape_cast %get3A_745 : vector<1x16xf32> to vector<16xf32>
      %add3A_747 = arith.addf %add3A_738, %get3A_746 : vector<16xf32>
      %mul3A_748 = arith.constant 20 : i32
      %mul3A_749 = arith.muli %scan3A_95, %mul3A_748 : i32
      %add3A_750 = arith.constant 10 : i32
      %add3A_751 = arith.addi %mul3A_749, %add3A_750 : i32
      %get3A_752 = arith.index_cast %add3A_751 : i32 to index
      %get3A_753 = arith.constant 48 : index
      %get3A_754 = tpu.vector_load %arg9[%get3A_752, %get3A_753] {strides = array<i32>} : memref<640x64xf32, #tpu.memory_space<vmem>>, vector<1x16xf32>,
      %get3A_755 = vector.shape_cast %get3A_754 : vector<1x16xf32> to vector<16xf32>
      %add3A_756 = arith.addf %add3A_747, %get3A_755 : vector<16xf32>
      %mul3A_757 = arith.constant 20 : i32
      %mul3A_758 = arith.muli %scan3A_95, %mul3A_757 : i32
      %add3A_759 = arith.constant 11 : i32
      %add3A_760 = arith.addi %mul3A_758, %add3A_759 : i32
      %get3A_761 = arith.index_cast %add3A_760 : i32 to index
      %get3A_762 = arith.constant 48 : index
      %get3A_763 = tpu.vector_load %arg9[%get3A_761, %get3A_762] {strides = array<i32>} : memref<640x64xf32, #tpu.memory_space<vmem>>, vector<1x16xf32>,
      %get3A_764 = vector.shape_cast %get3A_763 : vector<1x16xf32> to vector<16xf32>
      %add3A_765 = arith.addf %add3A_756, %get3A_764 : vector<16xf32>
      %mul3A_766 = arith.constant 20 : i32
      %mul3A_767 = arith.muli %scan3A_95, %mul3A_766 : i32
      %add3A_768 = arith.constant 12 : i32
      %add3A_769 = arith.addi %mul3A_767, %add3A_768 : i32
      %get3A_770 = arith.index_cast %add3A_769 : i32 to index
      %get3A_771 = arith.constant 48 : index
      %get3A_772 = tpu.vector_load %arg9[%get3A_770, %get3A_771] {strides = array<i32>} : memref<640x64xf32, #tpu.memory_space<vmem>>, vector<1x16xf32>,
      %get3A_773 = vector.shape_cast %get3A_772 : vector<1x16xf32> to vector<16xf32>
      %add3A_774 = arith.addf %add3A_765, %get3A_773 : vector<16xf32>
      %mul3A_775 = arith.constant 20 : i32
      %mul3A_776 = arith.muli %scan3A_95, %mul3A_775 : i32
      %add3A_777 = arith.constant 13 : i32
      %add3A_778 = arith.addi %mul3A_776, %add3A_777 : i32
      %get3A_779 = arith.index_cast %add3A_778 : i32 to index
      %get3A_780 = arith.constant 48 : index
      %get3A_781 = tpu.vector_load %arg9[%get3A_779, %get3A_780] {strides = array<i32>} : memref<640x64xf32, #tpu.memory_space<vmem>>, vector<1x16xf32>,
      %get3A_782 = vector.shape_cast %get3A_781 : vector<1x16xf32> to vector<16xf32>
      %add3A_783 = arith.addf %add3A_774, %get3A_782 : vector<16xf32>
      %mul3A_784 = arith.constant 20 : i32
      %mul3A_785 = arith.muli %scan3A_95, %mul3A_784 : i32
      %add3A_786 = arith.constant 14 : i32
      %add3A_787 = arith.addi %mul3A_785, %add3A_786 : i32
      %get3A_788 = arith.index_cast %add3A_787 : i32 to index
      %get3A_789 = arith.constant 48 : index
      %get3A_790 = tpu.vector_load %arg9[%get3A_788, %get3A_789] {strides = array<i32>} : memref<640x64xf32, #tpu.memory_space<vmem>>, vector<1x16xf32>,
      %get3A_791 = vector.shape_cast %get3A_790 : vector<1x16xf32> to vector<16xf32>
      %add3A_792 = arith.addf %add3A_783, %get3A_791 : vector<16xf32>
      %mul3A_793 = arith.constant 20 : i32
      %mul3A_794 = arith.muli %scan3A_95, %mul3A_793 : i32
      %add3A_795 = arith.constant 15 : i32
      %add3A_796 = arith.addi %mul3A_794, %add3A_795 : i32
      %get3A_797 = arith.index_cast %add3A_796 : i32 to index
      %get3A_798 = arith.constant 48 : index
      %get3A_799 = tpu.vector_load %arg9[%get3A_797, %get3A_798] {strides = array<i32>} : memref<640x64xf32, #tpu.memory_space<vmem>>, vector<1x16xf32>,
      %get3A_800 = vector.shape_cast %get3A_799 : vector<1x16xf32> to vector<16xf32>
      %add3A_801 = arith.addf %add3A_792, %get3A_800 : vector<16xf32>
      %mul3A_802 = arith.constant 20 : i32
      %mul3A_803 = arith.muli %scan3A_95, %mul3A_802 : i32
      %add3A_804 = arith.constant 16 : i32
      %add3A_805 = arith.addi %mul3A_803, %add3A_804 : i32
      %get3A_806 = arith.index_cast %add3A_805 : i32 to index
      %get3A_807 = arith.constant 48 : index
      %get3A_808 = tpu.vector_load %arg9[%get3A_806, %get3A_807] {strides = array<i32>} : memref<640x64xf32, #tpu.memory_space<vmem>>, vector<1x16xf32>,
      %get3A_809 = vector.shape_cast %get3A_808 : vector<1x16xf32> to vector<16xf32>
      %add3A_810 = arith.addf %add3A_801, %get3A_809 : vector<16xf32>
      %mul3A_811 = arith.constant 20 : i32
      %mul3A_812 = arith.muli %scan3A_95, %mul3A_811 : i32
      %add3A_813 = arith.constant 17 : i32
      %add3A_814 = arith.addi %mul3A_812, %add3A_813 : i32
      %get3A_815 = arith.index_cast %add3A_814 : i32 to index
      %get3A_816 = arith.constant 48 : index
      %get3A_817 = tpu.vector_load %arg9[%get3A_815, %get3A_816] {strides = array<i32>} : memref<640x64xf32, #tpu.memory_space<vmem>>, vector<1x16xf32>,
      %get3A_818 = vector.shape_cast %get3A_817 : vector<1x16xf32> to vector<16xf32>
      %add3A_819 = arith.addf %add3A_810, %get3A_818 : vector<16xf32>
      %mul3A_820 = arith.constant 20 : i32
      %mul3A_821 = arith.muli %scan3A_95, %mul3A_820 : i32
      %add3A_822 = arith.constant 18 : i32
      %add3A_823 = arith.addi %mul3A_821, %add3A_822 : i32
      %get3A_824 = arith.index_cast %add3A_823 : i32 to index
      %get3A_825 = arith.constant 48 : index
      %get3A_826 = tpu.vector_load %arg9[%get3A_824, %get3A_825] {strides = array<i32>} : memref<640x64xf32, #tpu.memory_space<vmem>>, vector<1x16xf32>,
      %get3A_827 = vector.shape_cast %get3A_826 : vector<1x16xf32> to vector<16xf32>
      %add3A_828 = arith.addf %add3A_819, %get3A_827 : vector<16xf32>
      %mul3A_829 = arith.constant 20 : i32
      %mul3A_830 = arith.muli %scan3A_95, %mul3A_829 : i32
      %add3A_831 = arith.constant 19 : i32
      %add3A_832 = arith.addi %mul3A_830, %add3A_831 : i32
      %get3A_833 = arith.index_cast %add3A_832 : i32 to index
      %get3A_834 = arith.constant 48 : index
      %get3A_835 = tpu.vector_load %arg9[%get3A_833, %get3A_834] {strides = array<i32>} : memref<640x64xf32, #tpu.memory_space<vmem>>, vector<1x16xf32>,
      %get3A_836 = vector.shape_cast %get3A_835 : vector<1x16xf32> to vector<16xf32>
      %add3A_837 = arith.addf %add3A_828, %get3A_836 : vector<16xf32>
      %mul3A_838 = vector.broadcast %scan3A_89 : f32 to vector<16xf32>
      %mul3A_839 = arith.mulf %add3A_837, %mul3A_838 : vector<16xf32>
      %get3A_840 = arith.index_cast %scan3A_95 : i32 to index
      %get3A_841 = arith.constant 48 : index
      %get3A_842 = tpu.vector_load %arg10[%get3A_840, %get3A_841] {strides = array<i32>} : memref<32x64xf32, #tpu.memory_space<vmem>>, vector<1x16xf32>,
      %get3A_843 = vector.shape_cast %get3A_842 : vector<1x16xf32> to vector<16xf32>
      %add3A_844 = arith.addf %mul3A_839, %get3A_843 : vector<16xf32>
      %swap3A_845 = arith.index_cast %scan3A_95 : i32 to index
      %swap3A_846 = arith.constant 48 : index
      %swap3A_847 = tpu.vector_load %arg11[%swap3A_845, %swap3A_846] {strides = array<i32>} : memref<32x64xf32, #tpu.memory_space<vmem>>, vector<1x16xf32>,
      %swap3A_848 = vector.shape_cast %swap3A_847 : vector<1x16xf32> to vector<16xf32>
      %swap3A_849 = vector.shape_cast %add3A_844 : vector<16xf32> to vector<1x16xf32>
      tpu.vector_store %arg11[%swap3A_845, %swap3A_846], %swap3A_849 {strides = array<i32>} : memref<32x64xf32, #tpu.memory_space<vmem>>, vector<1x16xf32>,
    }
    %scan3A_94 = arith.constant 32 : i32
    "tpu.region"() ({
      %run_scoped3A = tpu.sem_alloc : memref<!tpu.dma_semaphore, #tpu.memory_space<semaphore_mem>>
      %dma_start3A_95 = arith.constant 0 : i32
      %dma_start3A_96 = tpu.memref_slice %arg6[%mul3A_2, %dma_start3A_95] : memref<1024x64xf32, #tpu.memory_space<hbm>> -> memref<32x64xf32, #tpu.memory_space<hbm>>
      %dma_start3A_97 = arith.constant 0 : i32
      %dma_start3A_98 = tpu.memref_slice %arg6[%mul3A_2, %dma_start3A_97] : memref<1024x64xf32, #tpu.memory_space<hbm>> -> memref<32x64xf32, #tpu.memory_space<hbm>>
      tpu.enqueue_dma source(%arg11 : memref<32x64xf32, #tpu.memory_space<vmem>>) target(%dma_start3A_98 : memref<32x64xf32, #tpu.memory_space<hbm>>) target_semaphore(%run_scoped3A : memref<!tpu.dma_semaphore, #tpu.memory_space<semaphore_mem>>)
      %dma_wait3A_99 = arith.constant 0 : i32
      %dma_wait3A_100 = tpu.memref_slice %arg6[%mul3A_2, %dma_wait3A_99] : memref<1024x64xf32, #tpu.memory_space<hbm>> -> memref<32x64xf32, #tpu.memory_space<hbm>>
      %dma_wait3A_101 = arith.constant 0 : i32
      %dma_wait3A_102 = tpu.memref_slice %arg6[%mul3A_2, %dma_wait3A_101] : memref<1024x64xf32, #tpu.memory_space<hbm>> -> memref<32x64xf32, #tpu.memory_space<hbm>>
      tpu.wait_dma2 semaphore(%run_scoped3A : memref<!tpu.dma_semaphore, #tpu.memory_space<semaphore_mem>>) src(%arg11 : memref<32x64xf32, #tpu.memory_space<vmem>>) dst(%dma_wait3A_102 : memref<32x64xf32, #tpu.memory_space<hbm>>)
      tpu.yield
    }) : () -> ()
    return
  }
}

</mosaic_0001>

<sc_bundles>
// kernel: _sc_hidden.3.cloned.1.call-start
scs
__scs_entry_jumppad:
0x0: {  	(pc) =	sbr.rel $0x88, $3  }
0x1: {  	(tag) =	ssettag $0x0;
	lr =	simm.s32 $0x1  }
0x2: {  	[smem:$0x3F9D] =	sst lr;
	_ =	strace $0xD0000000  }
0x3: {  	_ = 	snop  }
0x4: {  	_ = 	snop  }
0x5: {  	_ = 	snop  }
0x6: {  	_ = 	snop  }
0x7: {  	_ = 	snop  }
__scs_overlays_trampoline_lowered:
0x8: {  	[smem:$0x3FAC] =	sst s0  }
0x9: {  	[smem:$0x3FAD] =	sst s1  }
0xa: {  	[smem:$0x3FAE] =	sst s2  }
0xb: {  	[smem:$0x3FAF] =	sst s3  }
0xc: {  	[smem:$0x3FB0] =	sst s4  }
0xd: {  	[smem:$0x3FB1] =	sst s5  }
0xe: {  	[smem:$0x3FB2] =	sst s6  }
0xf: {  	[smem:$0x3FB3] =	sst s7  }
0x10: {  	[smem:$0x3FB4] =	sst s8  }
0x11: {  	[smem:$0x3FB5] =	sst s9;
	s0 =	simm.s32 @!p0 $0x0  }
0x12: {  	s1 =	sld [smem:$0x3F9B];
	s0 =	simm.s32 @p0 $0x1  }
0x13: {  	[smem:$0x3FB6] =	sst s0;
	s0 =	simm.s32 @!p1 $0x0  }
0x14: {  	s2 =	sld [smem:$0x3F9A];
	s0 =	simm.s32 @p1 $0x1  }
0x15: {  	[smem:$0x3FB7] =	sst s0;
	s0 =	simm.s32 @!p2 $0x0  }
0x16: {  	s3 =	sld [smem:$0x3FDB];
	s0 =	simm.s32 @p2 $0x1  }
0x17: {  	s4 =	simm.s32 $0x1BF5;
	[smem:$0x3FB9] =	sst s0  }
0x18: {  	s0 =	sld [smem:$0x3F9C];
	_ =	swait.ge [sflag:s4], $0x0  }
0x19: {  	s7 =	sld [smem:$0x3F9D]  }
0x1a: {  	s8 =	sadd.s32 $0xFFFFE003, lr  }
0x1b: {  	s9 =	sadd.s32 $0xFFFFFEF7, lr;
	s5 =	simm.s32 $0xFFFFFFFF;
	p2 =	slt.u32 s8, $0xFFFFF086  }
0x1c: {  	p1 =	slt.u32 s9, $0xF7A;
	s5 =	simm.s32 @!p2 $0x0  }
0x1d: {  	s5 =	simm.s32 @p1 $0x1;
	p0 =	seq.s32 s7, s2  }
0x1e: {  	s7 =	smul.u32 @!p0 $0xF7A, s2;
	p2 =	seq.s32 @!p0 s5, $0x0  }
0x1f: {  	s9 =	smul.u32 $0xF7A, s1;
	s8 =	simm.s32 @!p0 $0x1BF5;
	p2 =	por !p2, p0  }
0x20: {  	[sflag:s8] =	ssyncset.s32 @!p0 $0xFFFFF086;
	s6 =	sadd.s32 @!p0 s3, s7;
	s7 =	simm.s32 @!p0 $0x108  }
0x21: {  	s3 =	sadd.s32 s3, s9;
	s6 =	sadd.s32 @!p0 $0x88, s6;
	s7 =	simm.s32 @p2 $0x1082  }
0x22: {  	[simem:s7], [sflag:s8] =	dma.local @!p0 [hbm:s6], $0xF7A  }
0x23: {  	s9 =	sor.u32 $0xD0000000, s2;
	s6 =	simm.s32 $0x108;
	_ =	swait.ge @!p0 [sflag:s8], $0x0  }
0x24: {  	s3 =	sadd.s32 $0x88, s3;
	s6 =	simm.s32 @!p1 $0x1082;
	[sflag:s4] =	ssyncset.s32 $0xFFFFF086  }
0x25: {  	[simem:s6], [sflag:s4] =	dma.local [hbm:s3], $0xF7A  }
0x26: {  	[smem:$0x3F9D] =	sst s1;
	(tag) =	ssettag s2;
	_ =	strace s9  }
0x27: {  	s1 =	sld [smem:$0x3FAD]  }
0x28: {  	s2 =	sld [smem:$0x3FAE]  }
0x29: {  	s4 =	sld [smem:$0x3FB0]  }
0x2a: {  	p0 =	seq.s32 s5, $0x0;
	s5 =	sld [smem:$0x3FB1]  }
0x2b: {  	s6 =	sld [smem:$0x3FB2]  }
0x2c: {  	s7 =	sld [smem:$0x3FB3]  }
0x2d: {  	s3 =	simm.s32 $0x108;
	s8 =	sld [smem:$0x3FB4]  }
0x2e: {  	s3 =	simm.s32 @!p0 $0x1082;
	s9 =	sld [smem:$0x3FB5]  }
0x2f: {  	lr =	sadd.s32 s0, s3;
	s0 =	sld [smem:$0x3FAC]  }
0x30: {  	s3 =	sld [smem:$0x3FAF]  }
0x31: {  	[smem:$0x3FB8] =	sst s10  }
0x32: {  	s10 =	sld [smem:$0x3FB6];
	_ =	sdelay $0x3  }
0x33: {  	p0 =	seq.s32 s10, $0x1;
	s10 =	sld [smem:$0x3FB8];
	_ =	sdelay $0x3  }
0x34: {  	[smem:$0x3FB8] =	sst s10  }
0x35: {  	s10 =	sld [smem:$0x3FB7];
	_ =	sdelay $0x3  }
0x36: {  	p1 =	seq.s32 s10, $0x1;
	s10 =	sld [smem:$0x3FB8];
	_ =	sdelay $0x3  }
0x37: {  	[smem:$0x3FB8] =	sst s10  }
0x38: {  	s10 =	sld [smem:$0x3FB9]  }
0x39: {  	_ = 	snop;
	(pc) =	sbr.ind lr, $3  }
0x3a: {  	_ = 	snop  }
0x3b: {  	_ = 	snop  }
0x3c: {  	p2 =	seq.s32 s10, $0x1;
	s10 =	sld [smem:$0x3FB8]  }
0x3d: {  	_ =	shalt  }
0x3e: {  	_ =	shalt  }
0x3f: {  	_ =	shalt  }
0x40: {  	_ =	shalt  }
0x41: {  	_ =	shalt  }
0x42: {  	_ =	shalt  }
0x43: {  	_ =	shalt  }
0x44: {  	_ =	shalt  }
0x45: {  	_ =	shalt  }
0x46: {  	_ =	shalt  }
0x47: {  	_ =	shalt  }
0x48: {  	_ =	shalt  }
0x49: {  	_ =	shalt  }
0x4a: {  	_ =	shalt  }
0x4b: {  	_ =	shalt  }
0x4c: {  	_ =	shalt  }
0x4d: {  	_ =	shalt  }
0x4e: {  	_ =	shalt  }
0x4f: {  	_ =	shalt  }
0x50: {  	_ =	shalt  }
0x51: {  	_ =	shalt  }
0x52: {  	_ =	shalt  }
0x53: {  	_ =	shalt  }
0x54: {  	_ =	shalt  }
0x55: {  	_ =	shalt  }
0x56: {  	_ =	shalt  }
0x57: {  	_ =	shalt  }
0x58: {  	_ =	shalt  }
0x59: {  	_ =	shalt  }
0x5a: {  	_ =	shalt  }
0x5b: {  	_ =	shalt  }
0x5c: {  	_ =	shalt  }
0x5d: {  	_ =	shalt  }
0x5e: {  	_ =	shalt  }
0x5f: {  	_ =	shalt  }
0x60: {  	_ =	shalt  }
0x61: {  	_ =	shalt  }
0x62: {  	_ =	shalt  }
0x63: {  	_ =	shalt  }
0x64: {  	_ =	shalt  }
0x65: {  	_ =	shalt  }
0x66: {  	_ =	shalt  }
0x67: {  	_ =	shalt  }
0x68: {  	_ =	shalt  }
0x69: {  	_ =	shalt  }
0x6a: {  	_ =	shalt  }
0x6b: {  	_ =	shalt  }
0x6c: {  	_ =	shalt  }
0x6d: {  	_ =	shalt  }
0x6e: {  	_ =	shalt  }
0x6f: {  	_ =	shalt  }
0x70: {  	_ =	shalt  }
0x71: {  	_ =	shalt  }
0x72: {  	_ =	shalt  }
0x73: {  	_ =	shalt  }
0x74: {  	_ =	shalt  }
0x75: {  	_ =	shalt  }
0x76: {  	_ =	shalt  }
0x77: {  	_ =	shalt  }
0x78: {  	_ =	shalt  }
0x79: {  	_ =	shalt  }
0x7a: {  	_ =	shalt  }
0x7b: {  	_ =	shalt  }
0x7c: {  	_ =	shalt  }
0x7d: {  	_ =	shalt  }
0x7e: {  	_ =	shalt  }
0x7f: {  	_ =	shalt  }
0x80: {  	_ =	shalt  }
0x81: {  	_ =	shalt  }
0x82: {  	_ =	shalt  }
0x83: {  	_ =	shalt  }
0x84: {  	_ =	shalt  }
0x85: {  	_ =	shalt  }
0x86: {  	_ =	shalt  }
0x87: {  	_ =	shalt  }
.Lfunc_end0:
.L_simem_size_0:
called_computation_lowered:
.L_overlay_start_0:
0x88: {  	s2 =	sld [smem:$0x3FD9]  }
0x89: {  	s3 =	sld [smem:$0x3FFE];
	_ =	sdelay $0x1  }
0x8a: {  	s1 =	srdreg.scid  }
0x8b: {  	s0 =	sand.u32 $0x1, s1  }
0x8c: {  	s17 =	sshll.u32 s0, $0xA;
	s2 =	sadd.s32 s3, s2  }
0x8d: {  	s2 =	sadd.s32 s2, s17  }
0x8e: {  	[smem:$0x3FC4] =	sst s2  }
0x8f: {  	_ = 	snop  }
0x90: {  	s2 =	sld [smem:$0x3FC7]  }
0x91: {  	s18 =	sld [smem:$0x3FC6]  }
0x92: {  	s4 =	sld [smem:$0x3FD0];
	(tm) =	ssettm $0x1  }
0x93: {  	s5 =	sld [smem:$0x3FFB];
	_ =	sdelay $0x3  }
0x94: {  	_ =	strace s5  }
0x95: {  	s5 =	sld [smem:$0x3FFC];
	_ =	sdelay $0x3  }
0x96: {  	_ =	strace s5  }
0x97: {  	s5 =	sld [smem:$0x3FFD];
	_ =	sdelay $0x3  }
0x98: {  	_ =	strace s5  }
0x99: {  	_ =	strace $0x8FFFFFFF  }
0x9a: {  	s19 =	sld [smem:$0x3FDB];
	_ =	sdelay $0x1  }
0x9b: {  	s6 =	simm.s32 $_scs_section_size  }
0x9c: {  	s7 =	simm.s32 $_size__tile_overlayer_lowered;
	s8 =	simm.s32 $_tile_overlayer_lowered  }
0x9d: {  	s22 =	simm.s32 $0x1BFF;
	s21 =	sshll.u32 s8, $0x1;
	s5 =	sadd.s32 s6, s19  }
0x9e: {  	s9 =	simm.s32 $0x0;
	s20 =	sshll.u32 s7, $0x1;
	s7 =	sadd.s32 s21, s5  }
0x9f: {  	[timem:s9], [sflag:s22] =	dma.local [hbm:s7], s20  }
0xa0: {  	_ =	swait.ge [sflag:s22], s20  }
0xa1: {  	s6 =	ssub.s32 $0x0, s20;
	[sflag:s22] =	ssyncset.done $0x0  }
0xa2: {  	[sflag:s22] =	ssyncadd.s32 s6;
	_ =	sdelay $0x1  }
0xa3: {  	s23 =	simm.s32 $0x1B8B  }
0xa4: {  	_ =	swait.ge [sflag:s23], $0x1  }
0xa5: {  	[sflag:s23] =	ssyncset.done $0x0  }
0xa6: {  	s25 =	simm.s32 $0x1B8E;
	s24 =	sld [smem:$0x3FFE];
	[sflag:s23] =	ssyncadd.s32 $0xFFFFFFFF  }
0xa7: {  	s26 =	simm.s32 $execute0_lowered;
	[smem:$0x3FD2] =	sst s25  }
0xa8: {  	s7 =	sshll.u32 s26, $0x1;
	_ =	strace $0x80000046;
	[dreg:$0x1] =	wrdreg $0xFFFFFFFF  }
0xa9: {  	s28 =	simm.s32 $_size_execute0_lowered;
	s5 =	sadd.s32 s5, s7;
	[dreg:$0x0] =	wrdreg $0x0  }
0xaa: {  	s7 =	sshll.u32 s28, $0x1;
	[dreg:$0x2] =	wrdreg s5  }
0xab: {  	[dreg:$0x3] =	wrdreg s7  }
0xac: {  	[dreg:$0x4] =	wrdreg $0xC0  }
0xad: {  	_ =	task [dreg:s9], $0x5FFFF  }
0xae: {  	[dreg:$0x1] =	wrdreg $0xFFFFFFFF  }
0xaf: {  	[dreg:$0x0] =	wrdreg $0x60  }
0xb0: {  	[dreg:$0x2] =	wrdreg s24  }
0xb1: {  	[dreg:$0x3] =	wrdreg s2  }
0xb2: {  	[dreg:$0x4] =	wrdreg s18  }
0xb3: {  	[dreg:$0x5] =	wrdreg s4  }
0xb4: {  	[dreg:$0x6] =	wrdreg $0x9  }
0xb5: {  	_ =	task.clear_ibuf [dreg:s9], $0x7FFFF;
	_ =	strace $0x90000046  }
0xb6: {  	s29 =	simm.s32 $0x9;
	_ =	strace $0x80000048  }
0xb7: {  	_ =	swait.ge [sflag:s29], $0x1  }
0xb8: {  	[sflag:s29] =	ssyncadd.s32 $0xFFFFFFFF  }
0xb9: {  	_ =	strace $0x90000048  }
0xba: {  	_ =	sfence  }
0xbb: {  	s30 =	sld [smem:$0x0];
	_ =	sdelay $0x2  }
0xbc: {  	s31 =	sshll.u32 s1, $0xD;
	s1 =	sshrl.u32 s1, $0x2  }
0xbd: {  	s3 =	sand.u32 $0x4000, s31;
	s1 =	sadd.s32 s1, s30  }
0xbe: {  	s0 =	sor.u32 s3, s0;
	s1 =	sshll.u32 s1, $0x11  }
0xbf: {  	s0 =	sor.u32 s1, s0  }
0xc0: {  	s0 =	sadd.s32 $0x8F2B, s0  }
0xc1: {  	[sflag:s0] =	ssyncadd.remote.s32 $0x1  }
0xc2: {  	_ =	sfence.sel $0xFFFF  }
0xc3: {  	[dreg:$0x0] =	wrdreg $0xFFFFFFFF;
	(pc) =	sbr.abs _section_cstart, $3  }
0xc4: {  	[dreg:$0x1] =	wrdreg $0xFFFFFFFF  }
0xc5: {  	_ =	task.clear_ibuf [dreg:s9], $0x2FFFF;
	_ =	strace $0x9FFFFFFF  }
0xc6: {  	(tm) =	ssettm $0x7FFFFFFF  }
0xc7: {  	_ =	shalt  }
tec
execute0_lowered:
.L_overlay_start_1:
0x0: {  	(tag) =	ssettag $0x1  }
0x1: {  	s4 =	rddreg [dreg:$0x0]  }
0x2: {  	s5 =	rddreg [dreg:$0x1]  }
0x3: {  	s6 =	rddreg [dreg:$0x2]  }
0x4: {  	s7 =	rddreg [dreg:$0x3]  }
0x5: {  	s0 =	rddreg [dreg:$0x4]  }
0x6: {  	s2 =	simm.s32 $0x0;
	s3 =	srdreg.scid;
	s1 =	stileid.u32  }
0x7: {  	s12 =	simm.s32 $0x2A0;
	s13 =	simm.s32 $0x22A0;
	s14 =	simm.s32 $0x100  }
0x8: {  	s15 =	simm.s32 $0x42A0;
	s16 =	simm.s32 $0x180;
	s17 =	simm.s32 $0x62A0  }
0x9: {  	s18 =	simm.s32 $0x200;
	s19 =	simm.s32 $0x82A0;
	s20 =	simm.s32 $0x20  }
0xa: {  	s21 =	simm.s32 $0xA2A0;
	s22 =	simm.s32 $0x1;
	s23 =	simm.s32 $0xAAA0  }
0xb: {  	s24 =	simm.s32 $0x0;
	[smem:$0x7FF] =	sst s2;
	s3 =	sand.u32 $0x1, s3  }
0xc: {  	s8 =	sshll.u32 s1, $0x1;
	_ =	strace $0x80000047;
	s9 =	ssub.s32 $0x2, s3  }
0xd: {  	s8 =	sor.u32 s3, s8;
	s3 =	sadd.s32 $0x188A00, s4;
	s4 =	sadd.s32 $0x24C000, s4  }
0xe: {  	s10 =	sshrl.u32 s9, $0x1;
	s11 =	smul.u32 $0x50, s8;
	s31 =	sshll.u32 s8, $0x2  }
0xf: {  	s8 =	sshll.u32 s8, $0x8;
	s9 =	ssub.s32 s9, s10;
	s6 =	sadd.s32 s6, s31  }
0x10: {  	s7 =	sadd.s32 s7, s8;
	s10 =	simm.s32 $0x280;
	s5 =	sadd.s32 s5, s11  }
0x11: {  	s8 =	smax.u32 s9, $0x1;
	s9 =	simm.s32 $0x2;
	s11 =	simm.s32 $0x80  }
.LBB2_1:
0x12: {  	[tilespmem:s2], [sflag:$0x2] =	stream.linear.gather [hbm4b:s5+s2], $0x280, $0x38;
	[tilespmem:$0xB2A0] =	vst v63  }
0x13: {  	_ =	swait.ge [sflag:s9], $0x280  }
0x14: {  	[sflag:s9] =	ssyncset.done $0x0  }
0x15: {  	[sflag:s9] =	ssyncadd.s32 $0xFFFFFD80  }
0x16: {  	[tilespmem:s10], [sflag:$0x2] =	stream.linear.gather [hbm4b:s6+s2], $0x20, $0x38;
	[tilespmem:$0xB2A0] =	vst v63  }
0x17: {  	_ =	swait.ge [sflag:s9], $0x20  }
0x18: {  	[sflag:s9] =	ssyncset.done $0x0  }
0x19: {  	[sflag:s9] =	ssyncadd.s32 $0xFFFFFFE0  }
0x1a: {  	[tilespmem:s12], [sflag:$0x1] =	stream.indirect.gather [hbm4b:s3+s11], $0x40, s2, s11, $0xb8;
	[tilespmem:$0xB2A0] =	vst v63  }
0x1b: {  	_ = 	snop  }
0x1c: {  	[tilespmem:s13], [sflag:$0x1] =	stream.indirect.gather [hbm4b:s3+s11], $0x40, s11, s11, $0xb8;
	[tilespmem:$0xB2A0] =	vst v63  }
0x1d: {  	_ = 	snop  }
0x1e: {  	[tilespmem:s15], [sflag:$0x1] =	stream.indirect.gather [hbm4b:s3+s11], $0x40, s14, s11, $0xb8;
	[tilespmem:$0xB2A0] =	vst v63  }
0x1f: {  	_ = 	snop  }
0x20: {  	[tilespmem:s17], [sflag:$0x1] =	stream.indirect.gather [hbm4b:s3+s11], $0x40, s16, s11, $0xb8;
	[tilespmem:$0xB2A0] =	vst v63  }
0x21: {  	_ = 	snop  }
0x22: {  	[tilespmem:s19], [sflag:$0x1] =	stream.indirect.gather [hbm4b:s3+s11], $0x40, s18, s11, $0xb8;
	[tilespmem:$0xB2A0] =	vst v63  }
0x23: {  	_ = 	snop  }
0x24: {  	[tilespmem:s21], [sflag:$0x1] =	stream.indirect.gather [hbm4b:s4+s20], $0x40, s10, s20, $0xb8;
	[tilespmem:$0xB2A0] =	vst v63  }
0x25: {  	_ =	swait.ge [sflag:s22], $0x2000  }
0x26: {  	[sflag:s22] =	ssyncset.done $0x0  }
0x27: {  	[sflag:s22] =	ssyncadd.s32 $0xFFFFE000  }
0x28: {  	_ =	swait.ge [sflag:s22], $0x2000  }
0x29: {  	[sflag:s22] =	ssyncset.done $0x0  }
0x2a: {  	[sflag:s22] =	ssyncadd.s32 $0xFFFFE000  }
0x2b: {  	_ =	swait.ge [sflag:s22], $0x2000  }
0x2c: {  	[sflag:s22] =	ssyncset.done $0x0  }
0x2d: {  	[sflag:s22] =	ssyncadd.s32 $0xFFFFE000  }
0x2e: {  	_ =	swait.ge [sflag:s22], $0x2000  }
0x2f: {  	[sflag:s22] =	ssyncset.done $0x0  }
0x30: {  	[sflag:s22] =	ssyncadd.s32 $0xFFFFE000  }
0x31: {  	_ =	swait.ge [sflag:s22], $0x2000  }
0x32: {  	[sflag:s22] =	ssyncset.done $0x0  }
0x33: {  	[sflag:s22] =	ssyncadd.s32 $0xFFFFE000  }
0x34: {  	_ =	swait.ge [sflag:s22], $0x800  }
0x35: {  	[sflag:s22] =	ssyncset.done $0x0  }
0x36: {  	s25 =	simm.s32 $0x520;
	[sflag:s22] =	ssyncadd.s32 $0xFFFFF800  }
0x37: {  	v0 =	vld [tilespmem:s25+$0xFFFFFDC0]  }
0x38: {  	v1 =	vld [tilespmem:s25+$0xFFFFFD80];
	_ =	sdelay $0x1  }
0x39: {  	v2 =	vld [tilespmem:s25+$0xFFFFFE00];
	_ =	sdelay $0x1  }
0x3a: {  	v3 =	vld [tilespmem:s25+$0xFFFFFE40]  }
0x3b: {  	v0 =	vadd.f32 v0, v1  }
0x3c: {  	v1 =	vld [tilespmem:s25+$0xFFFFFE80]  }
0x3d: {  	v0 =	vadd.f32 v2, v0  }
0x3e: {  	v2 =	vld [tilespmem:s25+$0xFFFFFEC0]  }
0x3f: {  	v0 =	vadd.f32 v3, v0  }
0x40: {  	v3 =	vld [tilespmem:s25+$0xFFFFFF00]  }
0x41: {  	v0 =	vadd.f32 v1, v0  }
0x42: {  	v1 =	vld [tilespmem:s25+$0xFFFFFF40]  }
0x43: {  	v0 =	vadd.f32 v2, v0  }
0x44: {  	v2 =	vld [tilespmem:s25+$0xFFFFFF80]  }
0x45: {  	v0 =	vadd.f32 v3, v0  }
0x46: {  	v3 =	vld [tilespmem:s25+$0xFFFFFFC0]  }
0x47: {  	v0 =	vadd.f32 v1, v0  }
0x48: {  	v1 =	vld [tilespmem:s25+$0x0]  }
0x49: {  	v0 =	vadd.f32 v2, v0  }
0x4a: {  	v2 =	vld [tilespmem:s25+$0x40]  }
0x4b: {  	v0 =	vadd.f32 v3, v0  }
0x4c: {  	v3 =	vld [tilespmem:s25+$0x80]  }
0x4d: {  	v0 =	vadd.f32 v1, v0  }
0x4e: {  	v1 =	vld [tilespmem:s25+$0xC0]  }
0x4f: {  	v0 =	vadd.f32 v2, v0  }
0x50: {  	v2 =	vld [tilespmem:s25+$0x100]  }
0x51: {  	v0 =	vadd.f32 v3, v0  }
0x52: {  	v3 =	vld [tilespmem:s25+$0x140]  }
0x53: {  	v0 =	vadd.f32 v1, v0  }
0x54: {  	v1 =	vld [tilespmem:s25+$0x180]  }
0x55: {  	v0 =	vadd.f32 v2, v0  }
0x56: {  	v2 =	vld [tilespmem:s25+$0x1C0]  }
0x57: {  	v0 =	vadd.f32 v3, v0  }
0x58: {  	v3 =	vld [tilespmem:s25+$0x200]  }
0x59: {  	v0 =	vadd.f32 v1, v0  }
0x5a: {  	v1 =	vld [tilespmem:s25+$0x240]  }
0x5b: {  	v0 =	vadd.f32 v2, v0;
	_ =	sdelay $0x1  }
0x5c: {  	s26 =	simm.s32 $0x0;
	v0 =	vadd.f32 v3, v0  }
0x5d: {  	v2 =	vld [tilespmem:s26+$0xA2A0]  }
0x5e: {  	v0 =	vadd.f32 v1, v0;
	_ =	sdelay $0x1  }
0x5f: {  	v0 =	vmul.f32 $5.000000070e-02, v0;
	_ =	sdelay $0x1  }
0x60: {  	v0 =	vadd.f32 v0, v2;
	_ =	sdelay $0x1  }
0x61: {  	[tilespmem:s26+$0xAAA0] =	vst v0  }
0x62: {  	v0 =	vld [tilespmem:s25+$0xFFFFFD90]  }
0x63: {  	v1 =	vld [tilespmem:s25+$0xFFFFFDD0];
	_ =	sdelay $0x1  }
0x64: {  	v2 =	vld [tilespmem:s25+$0xFFFFFE10];
	_ =	sdelay $0x1  }
0x65: {  	v3 =	vld [tilespmem:s25+$0xFFFFFE50]  }
0x66: {  	v0 =	vadd.f32 v1, v0  }
0x67: {  	v1 =	vld [tilespmem:s25+$0xFFFFFE90]  }
0x68: {  	v0 =	vadd.f32 v2, v0  }
0x69: {  	v2 =	vld [tilespmem:s25+$0xFFFFFED0]  }
0x6a: {  	v0 =	vadd.f32 v3, v0  }
0x6b: {  	v3 =	vld [tilespmem:s25+$0xFFFFFF10]  }
0x6c: {  	v0 =	vadd.f32 v1, v0  }
0x6d: {  	v1 =	vld [tilespmem:s25+$0xFFFFFF50]  }
0x6e: {  	v0 =	vadd.f32 v2, v0  }
0x6f: {  	v2 =	vld [tilespmem:s25+$0xFFFFFF90]  }
0x70: {  	v0 =	vadd.f32 v3, v0  }
0x71: {  	v3 =	vld [tilespmem:s25+$0xFFFFFFD0]  }
0x72: {  	v0 =	vadd.f32 v1, v0  }
0x73: {  	v1 =	vld [tilespmem:s25+$0x10]  }
0x74: {  	v0 =	vadd.f32 v2, v0  }
0x75: {  	v2 =	vld [tilespmem:s25+$0x50]  }
0x76: {  	v0 =	vadd.f32 v3, v0  }
0x77: {  	v3 =	vld [tilespmem:s25+$0x90]  }
0x78: {  	v0 =	vadd.f32 v1, v0  }
0x79: {  	v1 =	vld [tilespmem:s25+$0xD0]  }
0x7a: {  	v0 =	vadd.f32 v2, v0  }
0x7b: {  	v2 =	vld [tilespmem:s25+$0x110]  }
0x7c: {  	v0 =	vadd.f32 v3, v0  }
0x7d: {  	v3 =	vld [tilespmem:s25+$0x150]  }
0x7e: {  	v0 =	vadd.f32 v1, v0  }
0x7f: {  	v1 =	vld [tilespmem:s25+$0x190]  }
0x80: {  	v0 =	vadd.f32 v2, v0  }
0x81: {  	v2 =	vld [tilespmem:s25+$0x1D0]  }
0x82: {  	v0 =	vadd.f32 v3, v0  }
0x83: {  	v3 =	vld [tilespmem:s25+$0x210]  }
0x84: {  	v0 =	vadd.f32 v1, v0  }
0x85: {  	v1 =	vld [tilespmem:s25+$0x250]  }
0x86: {  	v0 =	vadd.f32 v2, v0;
	_ =	sdelay $0x1  }
0x87: {  	v0 =	vadd.f32 v3, v0  }
0x88: {  	v2 =	vld [tilespmem:s26+$0xA2B0]  }
0x89: {  	v0 =	vadd.f32 v1, v0;
	_ =	sdelay $0x1  }
0x8a: {  	v0 =	vmul.f32 $5.000000070e-02, v0;
	_ =	sdelay $0x1  }
0x8b: {  	v0 =	vadd.f32 v0, v2;
	_ =	sdelay $0x1  }
0x8c: {  	[tilespmem:s26+$0xAAB0] =	vst v0  }
0x8d: {  	v0 =	vld [tilespmem:s25+$0xFFFFFDA0]  }
0x8e: {  	v1 =	vld [tilespmem:s25+$0xFFFFFDE0];
	_ =	sdelay $0x1  }
0x8f: {  	v2 =	vld [tilespmem:s25+$0xFFFFFE20];
	_ =	sdelay $0x1  }
0x90: {  	v3 =	vld [tilespmem:s25+$0xFFFFFE60]  }
0x91: {  	v0 =	vadd.f32 v1, v0  }
0x92: {  	v1 =	vld [tilespmem:s25+$0xFFFFFEA0]  }
0x93: {  	v0 =	vadd.f32 v2, v0  }
0x94: {  	v2 =	vld [tilespmem:s25+$0xFFFFFEE0]  }
0x95: {  	v0 =	vadd.f32 v3, v0  }
0x96: {  	v3 =	vld [tilespmem:s25+$0xFFFFFF20]  }
0x97: {  	v0 =	vadd.f32 v1, v0  }
0x98: {  	v1 =	vld [tilespmem:s25+$0xFFFFFF60]  }
0x99: {  	v0 =	vadd.f32 v2, v0  }
0x9a: {  	v2 =	vld [tilespmem:s25+$0xFFFFFFA0]  }
0x9b: {  	v0 =	vadd.f32 v3, v0  }
0x9c: {  	v3 =	vld [tilespmem:s25+$0xFFFFFFE0]  }
0x9d: {  	v0 =	vadd.f32 v1, v0  }
0x9e: {  	v1 =	vld [tilespmem:s25+$0x20]  }
0x9f: {  	v0 =	vadd.f32 v2, v0  }
0xa0: {  	v2 =	vld [tilespmem:s25+$0x60]  }
0xa1: {  	v0 =	vadd.f32 v3, v0  }
0xa2: {  	v3 =	vld [tilespmem:s25+$0xA0]  }
0xa3: {  	v0 =	vadd.f32 v1, v0  }
0xa4: {  	v1 =	vld [tilespmem:s25+$0xE0]  }
0xa5: {  	v0 =	vadd.f32 v2, v0  }
0xa6: {  	v2 =	vld [tilespmem:s25+$0x120]  }
0xa7: {  	v0 =	vadd.f32 v3, v0  }
0xa8: {  	v3 =	vld [tilespmem:s25+$0x160]  }
0xa9: {  	v0 =	vadd.f32 v1, v0  }
0xaa: {  	v1 =	vld [tilespmem:s25+$0x1A0]  }
0xab: {  	v0 =	vadd.f32 v2, v0  }
0xac: {  	v2 =	vld [tilespmem:s25+$0x1E0]  }
0xad: {  	v0 =	vadd.f32 v3, v0  }
0xae: {  	v3 =	vld [tilespmem:s25+$0x220]  }
0xaf: {  	v0 =	vadd.f32 v1, v0  }
0xb0: {  	v1 =	vld [tilespmem:s25+$0x260]  }
0xb1: {  	v0 =	vadd.f32 v2, v0;
	_ =	sdelay $0x1  }
0xb2: {  	v0 =	vadd.f32 v3, v0  }
0xb3: {  	v2 =	vld [tilespmem:s26+$0xA2C0]  }
0xb4: {  	v0 =	vadd.f32 v1, v0;
	_ =	sdelay $0x1  }
0xb5: {  	v0 =	vmul.f32 $5.000000070e-02, v0;
	_ =	sdelay $0x1  }
0xb6: {  	v0 =	vadd.f32 v0, v2;
	_ =	sdelay $0x1  }
0xb7: {  	[tilespmem:s26+$0xAAC0] =	vst v0  }
0xb8: {  	v0 =	vld [tilespmem:s25+$0xFFFFFDB0]  }
0xb9: {  	v1 =	vld [tilespmem:s25+$0xFFFFFDF0];
	_ =	sdelay $0x1  }
0xba: {  	v2 =	vld [tilespmem:s25+$0xFFFFFE30];
	_ =	sdelay $0x1  }
0xbb: {  	v3 =	vld [tilespmem:s25+$0xFFFFFE70]  }
0xbc: {  	v0 =	vadd.f32 v1, v0  }
0xbd: {  	v1 =	vld [tilespmem:s25+$0xFFFFFEB0]  }
0xbe: {  	v0 =	vadd.f32 v2, v0  }
0xbf: {  	v2 =	vld [tilespmem:s25+$0xFFFFFEF0]  }
0xc0: {  	v0 =	vadd.f32 v3, v0  }
0xc1: {  	v3 =	vld [tilespmem:s25+$0xFFFFFF30]  }
0xc2: {  	v0 =	vadd.f32 v1, v0  }
0xc3: {  	v1 =	vld [tilespmem:s25+$0xFFFFFF70]  }
0xc4: {  	v0 =	vadd.f32 v2, v0  }
0xc5: {  	v2 =	vld [tilespmem:s25+$0xFFFFFFB0]  }
0xc6: {  	v0 =	vadd.f32 v3, v0  }
0xc7: {  	v3 =	vld [tilespmem:s25+$0xFFFFFFF0]  }
0xc8: {  	v0 =	vadd.f32 v1, v0  }
0xc9: {  	v1 =	vld [tilespmem:s25+$0x30]  }
0xca: {  	v0 =	vadd.f32 v2, v0  }
0xcb: {  	v2 =	vld [tilespmem:s25+$0x70]  }
0xcc: {  	v0 =	vadd.f32 v3, v0  }
0xcd: {  	v3 =	vld [tilespmem:s25+$0xB0]  }
0xce: {  	v0 =	vadd.f32 v1, v0  }
0xcf: {  	v1 =	vld [tilespmem:s25+$0xF0]  }
0xd0: {  	v0 =	vadd.f32 v2, v0  }
0xd1: {  	v2 =	vld [tilespmem:s25+$0x130]  }
0xd2: {  	v0 =	vadd.f32 v3, v0  }
0xd3: {  	v3 =	vld [tilespmem:s25+$0x170]  }
0xd4: {  	v0 =	vadd.f32 v1, v0  }
0xd5: {  	v1 =	vld [tilespmem:s25+$0x1B0]  }
0xd6: {  	v0 =	vadd.f32 v2, v0  }
0xd7: {  	v2 =	vld [tilespmem:s25+$0x1F0]  }
0xd8: {  	v0 =	vadd.f32 v3, v0  }
0xd9: {  	v3 =	vld [tilespmem:s25+$0x230]  }
0xda: {  	v0 =	vadd.f32 v1, v0  }
0xdb: {  	v1 =	vld [tilespmem:s25+$0x270]  }
0xdc: {  	v0 =	vadd.f32 v2, v0;
	_ =	sdelay $0x1  }
0xdd: {  	v2 =	vadd.f32 v3, v0  }
0xde: {  	v0 =	vld [tilespmem:s26+$0xA2D0]  }
0xdf: {  	s28 =	simm.s32 $0x100;
	v1 =	vadd.f32 v1, v2  }
.LBB2_2:
0xe0: {  	p0 =	sne.s32 s28, $0x1F00  }
0xe1: {  	s25 =	sadd.s32 $0x500, s25;
	s29 =	smov.u32 s28;
	s28 =	sadd.s32 $0x100, s28;
	v1 =	vmul.f32 $5.000000070e-02, v1  }
0xe2: {  	_ = 	snop  }
0xe3: {  	v0 =	vadd.f32 v1, v0;
	_ =	sdelay $0x1  }
0xe4: {  	[tilespmem:s26+$0xAAD0] =	vst v0  }
0xe5: {  	v0 =	vld [tilespmem:s25+$0xFFFFFDC0]  }
0xe6: {  	v1 =	vld [tilespmem:s25+$0xFFFFFD80];
	_ =	sdelay $0x1  }
0xe7: {  	v2 =	vld [tilespmem:s25+$0xFFFFFE00];
	_ =	sdelay $0x1  }
0xe8: {  	v3 =	vld [tilespmem:s25+$0xFFFFFE40]  }
0xe9: {  	v0 =	vadd.f32 v0, v1  }
0xea: {  	v1 =	vld [tilespmem:s25+$0xFFFFFE80]  }
0xeb: {  	v0 =	vadd.f32 v2, v0  }
0xec: {  	v2 =	vld [tilespmem:s25+$0xFFFFFEC0]  }
0xed: {  	v0 =	vadd.f32 v3, v0  }
0xee: {  	v3 =	vld [tilespmem:s25+$0xFFFFFF00]  }
0xef: {  	v0 =	vadd.f32 v1, v0  }
0xf0: {  	v1 =	vld [tilespmem:s25+$0xFFFFFF40]  }
0xf1: {  	v0 =	vadd.f32 v2, v0  }
0xf2: {  	v2 =	vld [tilespmem:s25+$0xFFFFFF80]  }
0xf3: {  	v0 =	vadd.f32 v3, v0  }
0xf4: {  	v3 =	vld [tilespmem:s25+$0xFFFFFFC0]  }
0xf5: {  	v0 =	vadd.f32 v1, v0  }
0xf6: {  	v1 =	vld [tilespmem:s25+$0x0]  }
0xf7: {  	v0 =	vadd.f32 v2, v0  }
0xf8: {  	v2 =	vld [tilespmem:s25+$0x40]  }
0xf9: {  	v0 =	vadd.f32 v3, v0  }
0xfa: {  	v3 =	vld [tilespmem:s25+$0x80]  }
0xfb: {  	v0 =	vadd.f32 v1, v0  }
0xfc: {  	v1 =	vld [tilespmem:s25+$0xC0]  }
0xfd: {  	v0 =	vadd.f32 v2, v0  }
0xfe: {  	v2 =	vld [tilespmem:s25+$0x100]  }
0xff: {  	v0 =	vadd.f32 v3, v0  }
0x100: {  	v3 =	vld [tilespmem:s25+$0x140]  }
0x101: {  	v0 =	vadd.f32 v1, v0  }
0x102: {  	v1 =	vld [tilespmem:s25+$0x180]  }
0x103: {  	v0 =	vadd.f32 v2, v0  }
0x104: {  	v2 =	vld [tilespmem:s25+$0x1C0]  }
0x105: {  	v0 =	vadd.f32 v3, v0  }
0x106: {  	v3 =	vld [tilespmem:s25+$0x200]  }
0x107: {  	v0 =	vadd.f32 v1, v0  }
0x108: {  	v1 =	vld [tilespmem:s25+$0x240]  }
0x109: {  	v0 =	vadd.f32 v2, v0;
	_ =	sdelay $0x1  }
0x10a: {  	s26 =	sshra.s32 s29, $0x2;
	v0 =	vadd.f32 v3, v0  }
0x10b: {  	v2 =	vld [tilespmem:s26+$0xA2A0]  }
0x10c: {  	v0 =	vadd.f32 v1, v0;
	_ =	sdelay $0x1  }
0x10d: {  	v0 =	vmul.f32 $5.000000070e-02, v0;
	_ =	sdelay $0x1  }
0x10e: {  	v0 =	vadd.f32 v0, v2;
	_ =	sdelay $0x1  }
0x10f: {  	[tilespmem:s26+$0xAAA0] =	vst v0  }
0x110: {  	v0 =	vld [tilespmem:s25+$0xFFFFFD90]  }
0x111: {  	v1 =	vld [tilespmem:s25+$0xFFFFFDD0];
	_ =	sdelay $0x1  }
0x112: {  	v2 =	vld [tilespmem:s25+$0xFFFFFE10];
	_ =	sdelay $0x1  }
0x113: {  	v3 =	vld [tilespmem:s25+$0xFFFFFE50]  }
0x114: {  	v0 =	vadd.f32 v1, v0  }
0x115: {  	v1 =	vld [tilespmem:s25+$0xFFFFFE90]  }
0x116: {  	v0 =	vadd.f32 v2, v0  }
0x117: {  	v2 =	vld [tilespmem:s25+$0xFFFFFED0]  }
0x118: {  	v0 =	vadd.f32 v3, v0  }
0x119: {  	v3 =	vld [tilespmem:s25+$0xFFFFFF10]  }
0x11a: {  	v0 =	vadd.f32 v1, v0  }
0x11b: {  	v1 =	vld [tilespmem:s25+$0xFFFFFF50]  }
0x11c: {  	v0 =	vadd.f32 v2, v0  }
0x11d: {  	v2 =	vld [tilespmem:s25+$0xFFFFFF90]  }
0x11e: {  	v0 =	vadd.f32 v3, v0  }
0x11f: {  	v3 =	vld [tilespmem:s25+$0xFFFFFFD0]  }
0x120: {  	v0 =	vadd.f32 v1, v0  }
0x121: {  	v1 =	vld [tilespmem:s25+$0x10]  }
0x122: {  	v0 =	vadd.f32 v2, v0  }
0x123: {  	v2 =	vld [tilespmem:s25+$0x50]  }
0x124: {  	v0 =	vadd.f32 v3, v0  }
0x125: {  	v3 =	vld [tilespmem:s25+$0x90]  }
0x126: {  	v0 =	vadd.f32 v1, v0  }
0x127: {  	v1 =	vld [tilespmem:s25+$0xD0]  }
0x128: {  	v0 =	vadd.f32 v2, v0  }
0x129: {  	v2 =	vld [tilespmem:s25+$0x110]  }
0x12a: {  	v0 =	vadd.f32 v3, v0  }
0x12b: {  	v3 =	vld [tilespmem:s25+$0x150]  }
0x12c: {  	v0 =	vadd.f32 v1, v0  }
0x12d: {  	v1 =	vld [tilespmem:s25+$0x190]  }
0x12e: {  	v0 =	vadd.f32 v2, v0  }
0x12f: {  	v2 =	vld [tilespmem:s25+$0x1D0]  }
0x130: {  	v0 =	vadd.f32 v3, v0  }
0x131: {  	v3 =	vld [tilespmem:s25+$0x210]  }
0x132: {  	v0 =	vadd.f32 v1, v0  }
0x133: {  	v1 =	vld [tilespmem:s25+$0x250]  }
0x134: {  	v0 =	vadd.f32 v2, v0;
	_ =	sdelay $0x1  }
0x135: {  	v0 =	vadd.f32 v3, v0  }
0x136: {  	v2 =	vld [tilespmem:s26+$0xA2B0]  }
0x137: {  	v0 =	vadd.f32 v1, v0;
	_ =	sdelay $0x1  }
0x138: {  	v0 =	vmul.f32 $5.000000070e-02, v0;
	_ =	sdelay $0x1  }
0x139: {  	v0 =	vadd.f32 v0, v2;
	_ =	sdelay $0x1  }
0x13a: {  	[tilespmem:s26+$0xAAB0] =	vst v0  }
0x13b: {  	v0 =	vld [tilespmem:s25+$0xFFFFFDA0]  }
0x13c: {  	v1 =	vld [tilespmem:s25+$0xFFFFFDE0];
	_ =	sdelay $0x1  }
0x13d: {  	v2 =	vld [tilespmem:s25+$0xFFFFFE20];
	_ =	sdelay $0x1  }
0x13e: {  	v3 =	vld [tilespmem:s25+$0xFFFFFE60]  }
0x13f: {  	v0 =	vadd.f32 v1, v0  }
0x140: {  	v1 =	vld [tilespmem:s25+$0xFFFFFEA0]  }
0x141: {  	v0 =	vadd.f32 v2, v0  }
0x142: {  	v2 =	vld [tilespmem:s25+$0xFFFFFEE0]  }
0x143: {  	v0 =	vadd.f32 v3, v0  }
0x144: {  	v3 =	vld [tilespmem:s25+$0xFFFFFF20]  }
0x145: {  	v0 =	vadd.f32 v1, v0  }
0x146: {  	v1 =	vld [tilespmem:s25+$0xFFFFFF60]  }
0x147: {  	v0 =	vadd.f32 v2, v0  }
0x148: {  	v2 =	vld [tilespmem:s25+$0xFFFFFFA0]  }
0x149: {  	v0 =	vadd.f32 v3, v0  }
0x14a: {  	v3 =	vld [tilespmem:s25+$0xFFFFFFE0]  }
0x14b: {  	v0 =	vadd.f32 v1, v0  }
0x14c: {  	v1 =	vld [tilespmem:s25+$0x20]  }
0x14d: {  	v0 =	vadd.f32 v2, v0  }
0x14e: {  	v2 =	vld [tilespmem:s25+$0x60]  }
0x14f: {  	v0 =	vadd.f32 v3, v0  }
0x150: {  	v3 =	vld [tilespmem:s25+$0xA0]  }
0x151: {  	v0 =	vadd.f32 v1, v0  }
0x152: {  	v1 =	vld [tilespmem:s25+$0xE0]  }
0x153: {  	v0 =	vadd.f32 v2, v0  }
0x154: {  	v2 =	vld [tilespmem:s25+$0x120]  }
0x155: {  	v0 =	vadd.f32 v3, v0  }
0x156: {  	v3 =	vld [tilespmem:s25+$0x160]  }
0x157: {  	v0 =	vadd.f32 v1, v0  }
0x158: {  	v1 =	vld [tilespmem:s25+$0x1A0]  }
0x159: {  	v0 =	vadd.f32 v2, v0  }
0x15a: {  	v2 =	vld [tilespmem:s25+$0x1E0]  }
0x15b: {  	v0 =	vadd.f32 v3, v0  }
0x15c: {  	v3 =	vld [tilespmem:s25+$0x220]  }
0x15d: {  	v0 =	vadd.f32 v1, v0  }
0x15e: {  	v1 =	vld [tilespmem:s25+$0x260]  }
0x15f: {  	v0 =	vadd.f32 v2, v0;
	_ =	sdelay $0x1  }
0x160: {  	v0 =	vadd.f32 v3, v0  }
0x161: {  	v2 =	vld [tilespmem:s26+$0xA2C0]  }
0x162: {  	v0 =	vadd.f32 v1, v0;
	_ =	sdelay $0x1  }
0x163: {  	v0 =	vmul.f32 $5.000000070e-02, v0;
	_ =	sdelay $0x1  }
0x164: {  	v0 =	vadd.f32 v0, v2;
	_ =	sdelay $0x1  }
0x165: {  	[tilespmem:s26+$0xAAC0] =	vst v0  }
0x166: {  	v0 =	vld [tilespmem:s25+$0xFFFFFDB0]  }
0x167: {  	v1 =	vld [tilespmem:s25+$0xFFFFFDF0]  }
0x168: {  	v2 =	vld [tilespmem:s25+$0xFFFFFE30]  }
0x169: {  	v3 =	vld [tilespmem:s25+$0xFFFFFE70]  }
0x16a: {  	v4 =	vld [tilespmem:s25+$0xFFFFFEB0]  }
0x16b: {  	v5 =	vld [tilespmem:s25+$0xFFFFFEF0]  }
0x16c: {  	v0 =	vadd.f32 v1, v0;
	v1 =	vld [tilespmem:s25+$0xFFFFFF30]  }
0x16d: {  	v6 =	vld [tilespmem:s25+$0xFFFFFF70]  }
0x16e: {  	v0 =	vadd.f32 v2, v0;
	v2 =	vld [tilespmem:s25+$0xFFFFFFB0]  }
0x16f: {  	v7 =	vld [tilespmem:s25+$0xFFFFFFF0]  }
0x170: {  	v0 =	vadd.f32 v3, v0;
	v3 =	vld [tilespmem:s25+$0x30]  }
0x171: {  	v8 =	vld [tilespmem:s25+$0x70]  }
0x172: {  	v0 =	vadd.f32 v4, v0;
	v4 =	vld [tilespmem:s25+$0xB0]  }
0x173: {  	v9 =	vld [tilespmem:s25+$0xF0]  }
0x174: {  	v0 =	vadd.f32 v5, v0;
	v5 =	vld [tilespmem:s25+$0x130]  }
0x175: {  	v10 =	vld [tilespmem:s25+$0x170]  }
0x176: {  	v0 =	vadd.f32 v1, v0;
	v1 =	vld [tilespmem:s25+$0x1B0]  }
0x177: {  	v11 =	vld [tilespmem:s25+$0x1F0]  }
0x178: {  	v0 =	vadd.f32 v6, v0;
	v6 =	vld [tilespmem:s25+$0x230]  }
0x179: {  	v12 =	vld [tilespmem:s25+$0x270]  }
0x17a: {  	v0 =	vadd.f32 v2, v0;
	_ =	sdelay $0x1  }
0x17b: {  	v0 =	vadd.f32 v7, v0;
	_ =	sdelay $0x1  }
0x17c: {  	v0 =	vadd.f32 v3, v0;
	_ =	sdelay $0x1  }
0x17d: {  	v0 =	vadd.f32 v8, v0;
	_ =	sdelay $0x1  }
0x17e: {  	v0 =	vadd.f32 v4, v0;
	_ =	sdelay $0x1  }
0x17f: {  	v0 =	vadd.f32 v9, v0;
	_ =	sdelay $0x1  }
0x180: {  	v0 =	vadd.f32 v5, v0;
	_ =	sdelay $0x1  }
0x181: {  	v0 =	vadd.f32 v10, v0;
	_ =	sdelay $0x1  }
0x182: {  	v0 =	vadd.f32 v1, v0;
	_ =	sdelay $0x1  }
.Ltmp0:
0x183: {  	v0 =	vadd.f32 v11, v0;
	(pc) =	sbr.rel @p0 .LBB2_2-.Ltmp0, $3  }
0x184: {  	_ = 	snop  }
0x185: {  	v1 =	vadd.f32 v6, v0;
	v0 =	vld [tilespmem:s26+$0xA2D0];
	_ =	sdelay $0x1  }
0x186: {  	v1 =	vadd.f32 v12, v1  }
0x187: {  	_ = 	snop  }
0x188: {  	v1 =	vmul.f32 $5.000000070e-02, v1;
	_ =	sdelay $0x1  }
0x189: {  	s24 =	sadd.s32 $0x1, s24;
	v0 =	vadd.f32 v1, v0  }
0x18a: {  	p0 =	sne.s32 s24, s8  }
.Ltmp1:
0x18b: {  	[tilespmem:s26+$0xAAD0] =	vst v0;
	(pc) =	sbr.rel @p0 .LBB2_1-.Ltmp1, $4  }
0x18c: {  	[hbm4b:s7+s2] =	stream.linear.scatter [tilespmem:s23], [sflag:$0x2], $0x800, $0x38;
	[tilespmem:$0xB2A0] =	vst v63  }
0x18d: {  	_ =	swait.ge [sflag:s9], $0x800  }
0x18e: {  	[sflag:s9] =	ssyncset.done $0x0  }
0x18f: {  	[sflag:s9] =	ssyncadd.s32 $0xFFFFF800  }
0x190: {  	_ =	sfence.sel $0x180000  }
0x191: {  	[bflag:$0x0] =	sbarrier.arrive $0xFFFF  }
0x192: {  	p0 =	sne.s32 s1, $0x0;
	_ =	strace $0x90000047  }
0x193: {  	s0 =	sadd.s32 @!p0 $0x100000, s0;
	[bflag:$0x2] =	sbarrier.arrive $0xFFFF  }
0x194: {  	[sflag:s0] =	ssyncadd.tile.s32 @!p0 $0x1;
	_ =	shalt  }
.Lfunc_end2:
_tile_overlayer_lowered:
.L_overlay_start_2:
0x195: {  	(tag) =	ssettag $0x2  }
0x196: {  	s0 =	rddreg [dreg:$0x0];
	s2 =	stileid.u32  }
0x197: {  	s1 =	rddreg [dreg:$0x1];
	p0 =	sne.s32 s2, $0x0  }
0x198: {  	s3 =	rddreg [dreg:$0x2];
	[bflag:$0x3] =	sbarrier.arrive $0xFFFF;
	s2 =	simm.s32 @!p0 $0x1C02  }
0x199: {  	[timem:s3], [sflag:s2] =	dma.local @!p0 [hbm:s0], s1  }
0x19a: {  	s0 =	simm.s32 @!p0 $0x2  }
0x19b: {  	_ =	swait.ge @!p0 [sflag:s0], s1  }
0x19c: {  	s1 =	ssub.s32 @!p0 $0x0, s1;
	[sflag:s0] =	ssyncset.done @!p0 $0x0  }
0x19d: {  	[sflag:s0] =	ssyncadd.s32 @!p0 s1  }
0x19e: {  	[bflag:$0x3] =	sbarrier.arrive $0xFFFF  }
0x19f: {  	_ =	shalt  }

</sc_bundles>
